<compile_context>
chip_gen: v7x
topology: tpu7x:2x2x1
jax: 0.10.2.dev20260603
libtpu: 0.0.44.dev20260713+nightly
codegen_flags: <defaults>
</compile_context>

<pallas_src>
import functools

import jax
import jax.numpy as jnp
from jax import lax
from jax.experimental import pallas as pl
from jax.experimental.pallas import tpu as pltpu
from jax.experimental.pallas import tpu_sc as plsc

N_ENTS = 9000
N = 10000
H = 128
R = 16
B = 8
S = 16
E = 320000
CH = 128
NW = 32
NCHUNK = 80
E_PAD = NW * NCHUNK * CH
NBUF = 3
N_ACC = 10112
ROWS_PER_SUB = N_ACC // 16
NEG_SLOPE = (1.0 / 8.0 + 1.0 / 3.0) / 2.0



NROW = E_PAD // CH
IROW = NROW // R


def _prep_body(de_ref, we_ref, w_ref, et_ref, src_ref, dst_ref, o_ref,
               g_ref, d_ref, bd_ref):
    bd_ref[...] = jnp.zeros((H, H), jnp.float32)
    for b in range(B):
        bd_ref[b * S:(b + 1) * S, b * S:(b + 1) * S] = w_ref[0, b]
    bd = bd_ref[...]
    o_ref[0, :N_ENTS] = jnp.dot(de_ref[...], bd,
                                preferred_element_type=jnp.float32)
    o_ref[0, N_ENTS:] = jnp.dot(we_ref[...], bd,
                                preferred_element_type=jnp.float32)
    r = pl.program_id(0)
    row = jax.lax.broadcasted_iota(jnp.int32, (IROW, CH), 0) + r * IROW
    eid = row * CH + jax.lax.broadcasted_iota(jnp.int32, (IROW, CH), 1)
    valid = eid < E
    padi = jnp.maximum(eid - E, 0)
    g_ref[...] = jnp.where(valid, et_ref[...] * N + src_ref[...], padi % N)
    d_ref[...] = jnp.where(valid, dst_ref[...], N + padi % (N_ACC - N))


def _build_table_gidx(de, we, w4, et2d, src2d, dst2d):
    return pl.pallas_call(
        _prep_body,
        grid=(R,),
        in_specs=[
            pl.BlockSpec((N_ENTS, H), lambda r: (0, 0)),
            pl.BlockSpec((N - N_ENTS, H), lambda r: (0, 0)),
            pl.BlockSpec((1, B, S, S), lambda r: (r, 0, 0, 0)),
            pl.BlockSpec((IROW, CH), lambda r: (r, 0)),
            pl.BlockSpec((IROW, CH), lambda r: (r, 0)),
            pl.BlockSpec((IROW, CH), lambda r: (r, 0)),
        ],
        out_specs=[
            pl.BlockSpec((1, N, H), lambda r: (r, 0, 0)),
            pl.BlockSpec((IROW, CH), lambda r: (r, 0)),
            pl.BlockSpec((IROW, CH), lambda r: (r, 0)),
        ],
        out_shape=[
            jax.ShapeDtypeStruct((R, N, H), jnp.float32),
            jax.ShapeDtypeStruct((NROW, CH), jnp.int32),
            jax.ShapeDtypeStruct((NROW, CH), jnp.int32),
        ],
        scratch_shapes=[pltpu.VMEM((H, H), jnp.float32)],
    )(de, we, w4, et2d, src2d, dst2d)



_mesh = plsc.VectorSubcoreMesh(core_axis_name="c", subcore_axis_name="s")


@functools.partial(
    pl.kernel,
    mesh=_mesh,
    out_type=jax.ShapeDtypeStruct((2 * N_ACC, H), jnp.float32),
    scratch_types=[
        pltpu.VMEM((NBUF, CH), jnp.int32),
        pltpu.VMEM((NBUF, CH), jnp.int32),
        pltpu.VMEM((NBUF, CH, H), jnp.float32),
        pltpu.VMEM_SHARED((N_ACC, H), jnp.float32),
    ]
    + [pltpu.SemaphoreType.DMA] * (3 * NBUF),
)
def _sc_gather_scatter(table, gidx2d, dst2d, zrows, out, gbuf, dbuf, rows,
                       acc, *sems):
    gsem = sems[:NBUF]
    igsem = sems[NBUF:2 * NBUF]
    idsem = sems[2 * NBUF:]
    c = lax.axis_index("c")
    s = lax.axis_index("s")
    wid = s * 2 + c
    pltpu.sync_copy(zrows, acc.at[pl.ds(s * ROWS_PER_SUB, ROWS_PER_SUB)])
    plsc.subcore_barrier()

    base = wid * NCHUNK
    for q in range(NBUF):
        pltpu.sync_copy(gidx2d.at[base + q], gbuf.at[q])
        pltpu.sync_copy(dst2d.at[base + q], dbuf.at[q])
        pltpu.async_copy(table.at[gbuf.at[q]], rows.at[q], gsem[q])

    ngrp = (NCHUNK + NBUF - 1) // NBUF

    def body(p, carry):
        for q in range(NBUF):
            j = p * NBUF + q

            @pl.when(j < NCHUNK)
            def _():
                pltpu.make_async_copy(table.at[gbuf.at[q]], rows.at[q],
                                      gsem[q]).wait()
                more = j + NBUF < NCHUNK

                @pl.when(more)
                def _():
                    pltpu.async_copy(gidx2d.at[base + j + NBUF],
                                     gbuf.at[q], igsem[q])
                pltpu.sync_copy(rows.at[q], acc.at[dbuf.at[q]], add=True)

                @pl.when(more)
                def _():
                    pltpu.async_copy(dst2d.at[base + j + NBUF],
                                     dbuf.at[q], idsem[q])
                    pltpu.make_async_copy(gidx2d.at[base + j + NBUF],
                                          gbuf.at[q], igsem[q]).wait()
                    pltpu.async_copy(table.at[gbuf.at[q]], rows.at[q],
                                     gsem[q])
                    pltpu.make_async_copy(dst2d.at[base + j + NBUF],
                                          dbuf.at[q], idsem[q]).wait()
        return carry

    lax.fori_loop(0, ngrp, body, 0)
    plsc.subcore_barrier()
    base = c * N_ACC + s * ROWS_PER_SUB
    pltpu.sync_copy(acc.at[pl.ds(s * ROWS_PER_SUB, ROWS_PER_SUB)],
                    out.at[pl.ds(base, ROWS_PER_SUB)])



CHF = 3000


def _final_body(p_ref, n_ref, o_ref):
    x = p_ref[0] + p_ref[1]
    x = x * n_ref[...]
    x = jnp.where(x >= 0, x, x * NEG_SLOPE)
    ss = jnp.sum(x * x, axis=1, keepdims=True)
    o_ref[...] = x / jnp.maximum(jnp.sqrt(ss), 1e-12)


def _finish(partials, norm):
    return pl.pallas_call(
        _final_body,
        grid=(N_ENTS // CHF,),
        in_specs=[
            pl.BlockSpec((2, CHF, H), lambda i: (0, i, 0)),
            pl.BlockSpec((CHF, 1), lambda i: (i, 0)),
        ],
        out_specs=pl.BlockSpec((CHF, H), lambda i: (i, 0)),
        out_shape=jax.ShapeDtypeStruct((N_ENTS, H), jnp.float32),
    )(partials, norm)




def kernel(edge_index, edge_type, norm, dynamic_emb, words_emb, rel_weight):
    src2d = edge_index[0].astype(jnp.int32).reshape(-1, CH)
    dst2d_raw = edge_index[1].astype(jnp.int32).reshape(-1, CH)
    et2d = edge_type.astype(jnp.int32).reshape(-1, CH)

    w4 = rel_weight.reshape(R, B, S, S)
    table4, gidx2d, dst2d = _build_table_gidx(
        dynamic_emb, words_emb, w4, et2d, src2d, dst2d_raw)
    table = table4.reshape(R * N, H)

    zrows = jnp.zeros((ROWS_PER_SUB, H), jnp.float32)
    flat = _sc_gather_scatter(table, gidx2d, dst2d, zrows)
    partials = flat.reshape(2, N_ACC, H)

    static_emb = _finish(partials, norm[:N_ENTS])
    return (static_emb, static_emb)

# --- scband reference (transcript-rebuilt; emitter-appended) ---
"""Pipeline reference for scband-initial-h-48215302865401 (READ-ONLY COPY).

The authoritative reference and input builder live on the scoring server;
editing this copy changes nothing except your own understanding.
"""

import jax, jax.numpy as jnp
import numpy as np

NUM_ENTS = 9000
NUM_WORDS = 1000
H_DIM = 128
N_BASES = 8
SUBMAT = H_DIM // N_BASES  # 16
NUM_RELS = 16  # num_static_rels * 2
E = 320000
N_NODES = NUM_ENTS + NUM_WORDS


def setup_inputs(seed: int = 0) -> dict:
    key = jax.random.key(seed)
    k1, k2, k3, k4, k5, k6 = jax.random.split(key, 6)
    edge_index = jax.random.randint(k1, (2, E), 0, N_NODES)
    edge_type = jax.random.randint(k2, (E,), 0, NUM_RELS)
    norm = jax.random.uniform(k3, (N_NODES, 1), dtype=jnp.float32)
    # learned parameters
    dynamic_emb = jax.random.normal(k4, (NUM_ENTS, H_DIM), dtype=jnp.float32)
    # xavier_normal for words_emb
    std_w = float(np.sqrt(2.0 / (NUM_WORDS + H_DIM)))
    words_emb = jax.random.normal(k5, (NUM_WORDS, H_DIM), dtype=jnp.float32) * std_w
    # RGCNBlockLayer block-diagonal weight: (num_rels, n_bases*submat_in*submat_out), xavier_uniform
    fan = N_BASES * SUBMAT * SUBMAT
    bound = float(np.sqrt(6.0 / (NUM_RELS + fan)))
    rel_weight = jax.random.uniform(k6, (NUM_RELS, fan), dtype=jnp.float32, minval=-bound, maxval=bound)
    return {
        "edge_index": edge_index,
        "edge_type": edge_type,
        "norm": norm,
        "dynamic_emb": dynamic_emb,
        "words_emb": words_emb,
        "rel_weight": rel_weight,
    }


def reference(edge_index, edge_type, norm, dynamic_emb, words_emb, rel_weight):
    # h = cat(dynamic_emb, words_emb)
    h = jnp.concatenate([dynamic_emb, words_emb], axis=0)  # [N, H]
    src = edge_index[0]
    dst = edge_index[1]
    # RGCNBlockLayer msg_func: per-edge block-diagonal bmm
    w = jnp.take(rel_weight, edge_type, axis=0).reshape(-1, SUBMAT, SUBMAT)  # [E*B, s, s]
    node = jnp.take(h, src, axis=0).reshape(-1, 1, SUBMAT)  # [E*B, 1, s]
    msg = jnp.matmul(node, w).reshape(-1, H_DIM)  # [E, H]
    # fn.sum aggregation to dst, then apply_func: h * norm
    agg = jax.ops.segment_sum(msg, dst, num_segments=N_NODES)
    node_repr = agg * norm
    # F.rrelu in eval mode: negative slope = (1/8 + 1/3) / 2
    neg_slope = (1.0 / 8.0 + 1.0 / 3.0) / 2.0
    node_repr = jnp.where(node_repr >= 0, node_repr, node_repr * neg_slope)
    # dropout is identity at inference
    static_emb = node_repr[:NUM_ENTS]
    # layer_norm=True -> F.normalize (L2, dim=1, eps=1e-12)
    nrm = jnp.sqrt(jnp.sum(static_emb * static_emb, axis=1, keepdims=True))
    static_emb = static_emb / jnp.maximum(nrm, 1e-12)
    return (static_emb, static_emb)

if __name__ == "__main__":
    import jax
    _d = setup_inputs()
    print(jax.jit(kernel)(*tuple(_d.values())))

</pallas_src>

<mosaic_0001>
#map = affine_map<(d0, d1) -> (0, 0)>
module attributes {stable_mosaic.version = 14 : i64} {
  func.func @_sc_gather_scatter(%arg0: i32, %arg1: i32, %arg2: memref<160000x128xf32, #tpu.memory_space<hbm>>, %arg3: memref<2560x128xi32, #tpu.memory_space<hbm>>, %arg4: memref<2560x128xi32, #tpu.memory_space<hbm>>, %arg5: memref<632x128xf32, #tpu.memory_space<hbm>>, %arg6: memref<20224x128xf32, #tpu.memory_space<hbm>>, %arg7: memref<3x128xi32, #tpu.memory_space<vmem>>, %arg8: memref<3x128xi32, #tpu.memory_space<vmem>>, %arg9: memref<3x128x128xf32, #tpu.memory_space<vmem>>, %arg10: memref<10112x128xf32, #tpu.memory_space<vmem_shared>>, %arg11: memref<!tpu.dma_semaphore, #tpu.memory_space<semaphore_mem>>, %arg12: memref<!tpu.dma_semaphore, #tpu.memory_space<semaphore_mem>>, %arg13: memref<!tpu.dma_semaphore, #tpu.memory_space<semaphore_mem>>, %arg14: memref<!tpu.dma_semaphore, #tpu.memory_space<semaphore_mem>>, %arg15: memref<!tpu.dma_semaphore, #tpu.memory_space<semaphore_mem>>, %arg16: memref<!tpu.dma_semaphore, #tpu.memory_space<semaphore_mem>>, %arg17: memref<!tpu.dma_semaphore, #tpu.memory_space<semaphore_mem>>, %arg18: memref<!tpu.dma_semaphore, #tpu.memory_space<semaphore_mem>>, %arg19: memref<!tpu.dma_semaphore, #tpu.memory_space<semaphore_mem>>) attributes {dimension_semantics = [#tpu.dimension_semantics<core_parallel>, #tpu.dimension_semantics<subcore_parallel>], iteration_bounds = array<i64: 2, 16>, scalar_prefetch = 0 : i64, scratch_operands = 13 : i64, tpu.core_type = #tpu.core_type<sc_vector_subcore>, window_params = [{transform_indices = #map}, {transform_indices = #map}, {transform_indices = #map}, {transform_indices = #map}, {transform_indices = #map}]} {
    %mul3A = arith.constant 2 : i32
    %mul3A_0 = arith.muli %arg1, %mul3A : i32
    %add3A = arith.addi %mul3A_0, %arg0 : i32
    %mul3A_1 = arith.constant 632 : i32
    %mul3A_2 = arith.muli %arg1, %mul3A_1 : i32
    "tpu.region"() ({
      %run_scoped3A_70 = tpu.sem_alloc : memref<!tpu.dma_semaphore, #tpu.memory_space<semaphore_mem>>
      %dma_start3A_71 = arith.constant 0 : i32
      %dma_start3A_72 = tpu.memref_slice %arg10[%mul3A_2, %dma_start3A_71] : memref<10112x128xf32, #tpu.memory_space<vmem_shared>> -> memref<632x128xf32, #tpu.memory_space<vmem_shared>>
      tpu.enqueue_dma source(%arg5 : memref<632x128xf32, #tpu.memory_space<hbm>>) target(%dma_start3A_72 : memref<632x128xf32, #tpu.memory_space<vmem_shared>>) target_semaphore(%run_scoped3A_70 : memref<!tpu.dma_semaphore, #tpu.memory_space<semaphore_mem>>)
      %dma_wait3A = arith.constant 0 : i32
      %dma_wait3A_73 = tpu.memref_slice %arg10[%mul3A_2, %dma_wait3A] : memref<10112x128xf32, #tpu.memory_space<vmem_shared>> -> memref<632x128xf32, #tpu.memory_space<vmem_shared>>
      tpu.wait_dma2 semaphore(%run_scoped3A_70 : memref<!tpu.dma_semaphore, #tpu.memory_space<semaphore_mem>>) src(%arg5 : memref<632x128xf32, #tpu.memory_space<hbm>>) dst(%dma_wait3A_73 : memref<632x128xf32, #tpu.memory_space<vmem_shared>>)
      tpu.yield
    }) : () -> ()
    %barrier3A = arith.constant 0 : index
    tpu.barrier barrier_id(%barrier3A)
    %mul3A_3 = arith.constant 80 : i32
    %mul3A_4 = arith.muli %add3A, %mul3A_3 : i32
    %add3A_5 = arith.constant 0 : i32
    %add3A_6 = arith.addi %mul3A_4, %add3A_5 : i32
    %run_scoped3A = arith.constant 0 : i32
    "tpu.region"() ({
      %run_scoped3A_70 = tpu.sem_alloc : memref<!tpu.dma_semaphore, #tpu.memory_space<semaphore_mem>>
      %dma_start3A_71 = arith.constant 0 : i32
      %dma_start3A_72 = tpu.memref_slice %arg7[%run_scoped3A, %dma_start3A_71] : memref<3x128xi32, #tpu.memory_space<vmem>> -> memref<1x128xi32, #tpu.memory_space<vmem>>
      %dma_start3A_73 = tpu.memref_squeeze %dma_start3A_72 : memref<1x128xi32, #tpu.memory_space<vmem>> -> memref<128xi32, #tpu.memory_space<vmem>>
      %dma_start3A_74 = arith.constant 0 : i32
      %dma_start3A_75 = tpu.memref_slice %arg3[%add3A_6, %dma_start3A_74] : memref<2560x128xi32, #tpu.memory_space<hbm>> -> memref<1x128xi32, #tpu.memory_space<hbm>>
      %dma_start3A_76 = tpu.memref_squeeze %dma_start3A_75 : memref<1x128xi32, #tpu.memory_space<hbm>> -> memref<128xi32, #tpu.memory_space<hbm>>
      %dma_start3A_77 = arith.constant 0 : i32
      %dma_start3A_78 = tpu.memref_slice %arg7[%run_scoped3A, %dma_start3A_77] : memref<3x128xi32, #tpu.memory_space<vmem>> -> memref<1x128xi32, #tpu.memory_space<vmem>>
      %dma_start3A_79 = tpu.memref_squeeze %dma_start3A_78 : memref<1x128xi32, #tpu.memory_space<vmem>> -> memref<128xi32, #tpu.memory_space<vmem>>
      %dma_start3A_80 = arith.constant 0 : i32
      %dma_start3A_81 = tpu.memref_slice %arg3[%add3A_6, %dma_start3A_80] : memref<2560x128xi32, #tpu.memory_space<hbm>> -> memref<1x128xi32, #tpu.memory_space<hbm>>
      %dma_start3A_82 = tpu.memref_squeeze %dma_start3A_81 : memref<1x128xi32, #tpu.memory_space<hbm>> -> memref<128xi32, #tpu.memory_space<hbm>>
      tpu.enqueue_dma source(%dma_start3A_82 : memref<128xi32, #tpu.memory_space<hbm>>) target(%dma_start3A_79 : memref<128xi32, #tpu.memory_space<vmem>>) target_semaphore(%run_scoped3A_70 : memref<!tpu.dma_semaphore, #tpu.memory_space<semaphore_mem>>)
      %dma_wait3A = arith.constant 0 : i32
      %dma_wait3A_83 = tpu.memref_slice %arg7[%run_scoped3A, %dma_wait3A] : memref<3x128xi32, #tpu.memory_space<vmem>> -> memref<1x128xi32, #tpu.memory_space<vmem>>
      %dma_wait3A_84 = tpu.memref_squeeze %dma_wait3A_83 : memref<1x128xi32, #tpu.memory_space<vmem>> -> memref<128xi32, #tpu.memory_space<vmem>>
      %dma_wait3A_85 = arith.constant 0 : i32
      %dma_wait3A_86 = tpu.memref_slice %arg3[%add3A_6, %dma_wait3A_85] : memref<2560x128xi32, #tpu.memory_space<hbm>> -> memref<1x128xi32, #tpu.memory_space<hbm>>
      %dma_wait3A_87 = tpu.memref_squeeze %dma_wait3A_86 : memref<1x128xi32, #tpu.memory_space<hbm>> -> memref<128xi32, #tpu.memory_space<hbm>>
      %dma_wait3A_88 = arith.constant 0 : i32
      %dma_wait3A_89 = tpu.memref_slice %arg7[%run_scoped3A, %dma_wait3A_88] : memref<3x128xi32, #tpu.memory_space<vmem>> -> memref<1x128xi32, #tpu.memory_space<vmem>>
      %dma_wait3A_90 = tpu.memref_squeeze %dma_wait3A_89 : memref<1x128xi32, #tpu.memory_space<vmem>> -> memref<128xi32, #tpu.memory_space<vmem>>
      %dma_wait3A_91 = arith.constant 0 : i32
      %dma_wait3A_92 = tpu.memref_slice %arg3[%add3A_6, %dma_wait3A_91] : memref<2560x128xi32, #tpu.memory_space<hbm>> -> memref<1x128xi32, #tpu.memory_space<hbm>>
      %dma_wait3A_93 = tpu.memref_squeeze %dma_wait3A_92 : memref<1x128xi32, #tpu.memory_space<hbm>> -> memref<128xi32, #tpu.memory_space<hbm>>
      tpu.wait_dma2 semaphore(%run_scoped3A_70 : memref<!tpu.dma_semaphore, #tpu.memory_space<semaphore_mem>>) src(%dma_wait3A_93 : memref<128xi32, #tpu.memory_space<hbm>>) dst(%dma_wait3A_90 : memref<128xi32, #tpu.memory_space<vmem>>)
      tpu.yield
    }) : () -> ()
    %add3A_7 = arith.constant 0 : i32
    %add3A_8 = arith.addi %mul3A_4, %add3A_7 : i32
    %run_scoped3A_9 = arith.constant 0 : i32
    "tpu.region"() ({
      %run_scoped3A_70 = tpu.sem_alloc : memref<!tpu.dma_semaphore, #tpu.memory_space<semaphore_mem>>
      %dma_start3A_71 = arith.constant 0 : i32
      %dma_start3A_72 = tpu.memref_slice %arg8[%run_scoped3A_9, %dma_start3A_71] : memref<3x128xi32, #tpu.memory_space<vmem>> -> memref<1x128xi32, #tpu.memory_space<vmem>>
      %dma_start3A_73 = tpu.memref_squeeze %dma_start3A_72 : memref<1x128xi32, #tpu.memory_space<vmem>> -> memref<128xi32, #tpu.memory_space<vmem>>
      %dma_start3A_74 = arith.constant 0 : i32
      %dma_start3A_75 = tpu.memref_slice %arg4[%add3A_8, %dma_start3A_74] : memref<2560x128xi32, #tpu.memory_space<hbm>> -> memref<1x128xi32, #tpu.memory_space<hbm>>
      %dma_start3A_76 = tpu.memref_squeeze %dma_start3A_75 : memref<1x128xi32, #tpu.memory_space<hbm>> -> memref<128xi32, #tpu.memory_space<hbm>>
      %dma_start3A_77 = arith.constant 0 : i32
      %dma_start3A_78 = tpu.memref_slice %arg8[%run_scoped3A_9, %dma_start3A_77] : memref<3x128xi32, #tpu.memory_space<vmem>> -> memref<1x128xi32, #tpu.memory_space<vmem>>
      %dma_start3A_79 = tpu.memref_squeeze %dma_start3A_78 : memref<1x128xi32, #tpu.memory_space<vmem>> -> memref<128xi32, #tpu.memory_space<vmem>>
      %dma_start3A_80 = arith.constant 0 : i32
      %dma_start3A_81 = tpu.memref_slice %arg4[%add3A_8, %dma_start3A_80] : memref<2560x128xi32, #tpu.memory_space<hbm>> -> memref<1x128xi32, #tpu.memory_space<hbm>>
      %dma_start3A_82 = tpu.memref_squeeze %dma_start3A_81 : memref<1x128xi32, #tpu.memory_space<hbm>> -> memref<128xi32, #tpu.memory_space<hbm>>
      tpu.enqueue_dma source(%dma_start3A_82 : memref<128xi32, #tpu.memory_space<hbm>>) target(%dma_start3A_79 : memref<128xi32, #tpu.memory_space<vmem>>) target_semaphore(%run_scoped3A_70 : memref<!tpu.dma_semaphore, #tpu.memory_space<semaphore_mem>>)
      %dma_wait3A = arith.constant 0 : i32
      %dma_wait3A_83 = tpu.memref_slice %arg8[%run_scoped3A_9, %dma_wait3A] : memref<3x128xi32, #tpu.memory_space<vmem>> -> memref<1x128xi32, #tpu.memory_space<vmem>>
      %dma_wait3A_84 = tpu.memref_squeeze %dma_wait3A_83 : memref<1x128xi32, #tpu.memory_space<vmem>> -> memref<128xi32, #tpu.memory_space<vmem>>
      %dma_wait3A_85 = arith.constant 0 : i32
      %dma_wait3A_86 = tpu.memref_slice %arg4[%add3A_8, %dma_wait3A_85] : memref<2560x128xi32, #tpu.memory_space<hbm>> -> memref<1x128xi32, #tpu.memory_space<hbm>>
      %dma_wait3A_87 = tpu.memref_squeeze %dma_wait3A_86 : memref<1x128xi32, #tpu.memory_space<hbm>> -> memref<128xi32, #tpu.memory_space<hbm>>
      %dma_wait3A_88 = arith.constant 0 : i32
      %dma_wait3A_89 = tpu.memref_slice %arg8[%run_scoped3A_9, %dma_wait3A_88] : memref<3x128xi32, #tpu.memory_space<vmem>> -> memref<1x128xi32, #tpu.memory_space<vmem>>
      %dma_wait3A_90 = tpu.memref_squeeze %dma_wait3A_89 : memref<1x128xi32, #tpu.memory_space<vmem>> -> memref<128xi32, #tpu.memory_space<vmem>>
      %dma_wait3A_91 = arith.constant 0 : i32
      %dma_wait3A_92 = tpu.memref_slice %arg4[%add3A_8, %dma_wait3A_91] : memref<2560x128xi32, #tpu.memory_space<hbm>> -> memref<1x128xi32, #tpu.memory_space<hbm>>
      %dma_wait3A_93 = tpu.memref_squeeze %dma_wait3A_92 : memref<1x128xi32, #tpu.memory_space<hbm>> -> memref<128xi32, #tpu.memory_space<hbm>>
      tpu.wait_dma2 semaphore(%run_scoped3A_70 : memref<!tpu.dma_semaphore, #tpu.memory_space<semaphore_mem>>) src(%dma_wait3A_93 : memref<128xi32, #tpu.memory_space<hbm>>) dst(%dma_wait3A_90 : memref<128xi32, #tpu.memory_space<vmem>>)
      tpu.yield
    }) : () -> ()
    %dma_start3A = arith.constant 0 : i32
    %dma_start3A_10 = arith.constant 0 : i32
    %dma_start3A_11 = arith.constant 0 : i32
    %dma_start3A_12 = arith.constant 0 : i32
    %dma_start3A_13 = tpu.memref_slice %arg9[%dma_start3A_10, %dma_start3A_11, %dma_start3A_12] : memref<3x128x128xf32, #tpu.memory_space<vmem>> -> memref<1x128x128xf32, #tpu.memory_space<vmem>>
    %dma_start3A_14 = tpu.memref_squeeze %dma_start3A_13 : memref<1x128x128xf32, #tpu.memory_space<vmem>> -> memref<128x128xf32, #tpu.memory_space<vmem>>
    %dma_start3A_15 = arith.constant 0 : i32
    %dma_start3A_16 = tpu.memref_slice %arg7[%dma_start3A, %dma_start3A_15] : memref<3x128xi32, #tpu.memory_space<vmem>> -> memref<1x128xi32, #tpu.memory_space<vmem>>
    %dma_start3A_17 = tpu.memref_squeeze %dma_start3A_16 : memref<1x128xi32, #tpu.memory_space<vmem>> -> memref<128xi32, #tpu.memory_space<vmem>>
    %dma_start3A_18 = arith.constant 0 : i32
    %dma_start3A_19 = arith.constant 0 : i32
    %dma_start3A_20 = tpu.memref_slice %arg2[%dma_start3A_18, %dma_start3A_19] : memref<160000x128xf32, #tpu.memory_space<hbm>> -> memref<160000x128xf32, #tpu.memory_space<hbm>>
    tpu.enqueue_indirect_dma source(%dma_start3A_20 : memref<160000x128xf32, #tpu.memory_space<hbm>>) target(%dma_start3A_14 : memref<128x128xf32, #tpu.memory_space<vmem>>) offsets(%dma_start3A_17 : memref<128xi32, #tpu.memory_space<vmem>>) semaphore(%arg11 : memref<!tpu.dma_semaphore, #tpu.memory_space<semaphore_mem>>)
    %add3A_21 = arith.constant 1 : i32
    %add3A_22 = arith.addi %mul3A_4, %add3A_21 : i32
    %run_scoped3A_23 = arith.constant 1 : i32
    "tpu.region"() ({
      %run_scoped3A_70 = tpu.sem_alloc : memref<!tpu.dma_semaphore, #tpu.memory_space<semaphore_mem>>
      %dma_start3A_71 = arith.constant 0 : i32
      %dma_start3A_72 = tpu.memref_slice %arg7[%run_scoped3A_23, %dma_start3A_71] : memref<3x128xi32, #tpu.memory_space<vmem>> -> memref<1x128xi32, #tpu.memory_space<vmem>>
      %dma_start3A_73 = tpu.memref_squeeze %dma_start3A_72 : memref<1x128xi32, #tpu.memory_space<vmem>> -> memref<128xi32, #tpu.memory_space<vmem>>
      %dma_start3A_74 = arith.constant 0 : i32
      %dma_start3A_75 = tpu.memref_slice %arg3[%add3A_22, %dma_start3A_74] : memref<2560x128xi32, #tpu.memory_space<hbm>> -> memref<1x128xi32, #tpu.memory_space<hbm>>
      %dma_start3A_76 = tpu.memref_squeeze %dma_start3A_75 : memref<1x128xi32, #tpu.memory_space<hbm>> -> memref<128xi32, #tpu.memory_space<hbm>>
      %dma_start3A_77 = arith.constant 0 : i32
      %dma_start3A_78 = tpu.memref_slice %arg7[%run_scoped3A_23, %dma_start3A_77] : memref<3x128xi32, #tpu.memory_space<vmem>> -> memref<1x128xi32, #tpu.memory_space<vmem>>
      %dma_start3A_79 = tpu.memref_squeeze %dma_start3A_78 : memref<1x128xi32, #tpu.memory_space<vmem>> -> memref<128xi32, #tpu.memory_space<vmem>>
      %dma_start3A_80 = arith.constant 0 : i32
      %dma_start3A_81 = tpu.memref_slice %arg3[%add3A_22, %dma_start3A_80] : memref<2560x128xi32, #tpu.memory_space<hbm>> -> memref<1x128xi32, #tpu.memory_space<hbm>>
      %dma_start3A_82 = tpu.memref_squeeze %dma_start3A_81 : memref<1x128xi32, #tpu.memory_space<hbm>> -> memref<128xi32, #tpu.memory_space<hbm>>
      tpu.enqueue_dma source(%dma_start3A_82 : memref<128xi32, #tpu.memory_space<hbm>>) target(%dma_start3A_79 : memref<128xi32, #tpu.memory_space<vmem>>) target_semaphore(%run_scoped3A_70 : memref<!tpu.dma_semaphore, #tpu.memory_space<semaphore_mem>>)
      %dma_wait3A = arith.constant 0 : i32
      %dma_wait3A_83 = tpu.memref_slice %arg7[%run_scoped3A_23, %dma_wait3A] : memref<3x128xi32, #tpu.memory_space<vmem>> -> memref<1x128xi32, #tpu.memory_space<vmem>>
      %dma_wait3A_84 = tpu.memref_squeeze %dma_wait3A_83 : memref<1x128xi32, #tpu.memory_space<vmem>> -> memref<128xi32, #tpu.memory_space<vmem>>
      %dma_wait3A_85 = arith.constant 0 : i32
      %dma_wait3A_86 = tpu.memref_slice %arg3[%add3A_22, %dma_wait3A_85] : memref<2560x128xi32, #tpu.memory_space<hbm>> -> memref<1x128xi32, #tpu.memory_space<hbm>>
      %dma_wait3A_87 = tpu.memref_squeeze %dma_wait3A_86 : memref<1x128xi32, #tpu.memory_space<hbm>> -> memref<128xi32, #tpu.memory_space<hbm>>
      %dma_wait3A_88 = arith.constant 0 : i32
      %dma_wait3A_89 = tpu.memref_slice %arg7[%run_scoped3A_23, %dma_wait3A_88] : memref<3x128xi32, #tpu.memory_space<vmem>> -> memref<1x128xi32, #tpu.memory_space<vmem>>
      %dma_wait3A_90 = tpu.memref_squeeze %dma_wait3A_89 : memref<1x128xi32, #tpu.memory_space<vmem>> -> memref<128xi32, #tpu.memory_space<vmem>>
      %dma_wait3A_91 = arith.constant 0 : i32
      %dma_wait3A_92 = tpu.memref_slice %arg3[%add3A_22, %dma_wait3A_91] : memref<2560x128xi32, #tpu.memory_space<hbm>> -> memref<1x128xi32, #tpu.memory_space<hbm>>
      %dma_wait3A_93 = tpu.memref_squeeze %dma_wait3A_92 : memref<1x128xi32, #tpu.memory_space<hbm>> -> memref<128xi32, #tpu.memory_space<hbm>>
      tpu.wait_dma2 semaphore(%run_scoped3A_70 : memref<!tpu.dma_semaphore, #tpu.memory_space<semaphore_mem>>) src(%dma_wait3A_93 : memref<128xi32, #tpu.memory_space<hbm>>) dst(%dma_wait3A_90 : memref<128xi32, #tpu.memory_space<vmem>>)
      tpu.yield
    }) : () -> ()
    %add3A_24 = arith.constant 1 : i32
    %add3A_25 = arith.addi %mul3A_4, %add3A_24 : i32
    %run_scoped3A_26 = arith.constant 1 : i32
    "tpu.region"() ({
      %run_scoped3A_70 = tpu.sem_alloc : memref<!tpu.dma_semaphore, #tpu.memory_space<semaphore_mem>>
      %dma_start3A_71 = arith.constant 0 : i32
      %dma_start3A_72 = tpu.memref_slice %arg8[%run_scoped3A_26, %dma_start3A_71] : memref<3x128xi32, #tpu.memory_space<vmem>> -> memref<1x128xi32, #tpu.memory_space<vmem>>
      %dma_start3A_73 = tpu.memref_squeeze %dma_start3A_72 : memref<1x128xi32, #tpu.memory_space<vmem>> -> memref<128xi32, #tpu.memory_space<vmem>>
      %dma_start3A_74 = arith.constant 0 : i32
      %dma_start3A_75 = tpu.memref_slice %arg4[%add3A_25, %dma_start3A_74] : memref<2560x128xi32, #tpu.memory_space<hbm>> -> memref<1x128xi32, #tpu.memory_space<hbm>>
      %dma_start3A_76 = tpu.memref_squeeze %dma_start3A_75 : memref<1x128xi32, #tpu.memory_space<hbm>> -> memref<128xi32, #tpu.memory_space<hbm>>
      %dma_start3A_77 = arith.constant 0 : i32
      %dma_start3A_78 = tpu.memref_slice %arg8[%run_scoped3A_26, %dma_start3A_77] : memref<3x128xi32, #tpu.memory_space<vmem>> -> memref<1x128xi32, #tpu.memory_space<vmem>>
      %dma_start3A_79 = tpu.memref_squeeze %dma_start3A_78 : memref<1x128xi32, #tpu.memory_space<vmem>> -> memref<128xi32, #tpu.memory_space<vmem>>
      %dma_start3A_80 = arith.constant 0 : i32
      %dma_start3A_81 = tpu.memref_slice %arg4[%add3A_25, %dma_start3A_80] : memref<2560x128xi32, #tpu.memory_space<hbm>> -> memref<1x128xi32, #tpu.memory_space<hbm>>
      %dma_start3A_82 = tpu.memref_squeeze %dma_start3A_81 : memref<1x128xi32, #tpu.memory_space<hbm>> -> memref<128xi32, #tpu.memory_space<hbm>>
      tpu.enqueue_dma source(%dma_start3A_82 : memref<128xi32, #tpu.memory_space<hbm>>) target(%dma_start3A_79 : memref<128xi32, #tpu.memory_space<vmem>>) target_semaphore(%run_scoped3A_70 : memref<!tpu.dma_semaphore, #tpu.memory_space<semaphore_mem>>)
      %dma_wait3A = arith.constant 0 : i32
      %dma_wait3A_83 = tpu.memref_slice %arg8[%run_scoped3A_26, %dma_wait3A] : memref<3x128xi32, #tpu.memory_space<vmem>> -> memref<1x128xi32, #tpu.memory_space<vmem>>
      %dma_wait3A_84 = tpu.memref_squeeze %dma_wait3A_83 : memref<1x128xi32, #tpu.memory_space<vmem>> -> memref<128xi32, #tpu.memory_space<vmem>>
      %dma_wait3A_85 = arith.constant 0 : i32
      %dma_wait3A_86 = tpu.memref_slice %arg4[%add3A_25, %dma_wait3A_85] : memref<2560x128xi32, #tpu.memory_space<hbm>> -> memref<1x128xi32, #tpu.memory_space<hbm>>
      %dma_wait3A_87 = tpu.memref_squeeze %dma_wait3A_86 : memref<1x128xi32, #tpu.memory_space<hbm>> -> memref<128xi32, #tpu.memory_space<hbm>>
      %dma_wait3A_88 = arith.constant 0 : i32
      %dma_wait3A_89 = tpu.memref_slice %arg8[%run_scoped3A_26, %dma_wait3A_88] : memref<3x128xi32, #tpu.memory_space<vmem>> -> memref<1x128xi32, #tpu.memory_space<vmem>>
      %dma_wait3A_90 = tpu.memref_squeeze %dma_wait3A_89 : memref<1x128xi32, #tpu.memory_space<vmem>> -> memref<128xi32, #tpu.memory_space<vmem>>
      %dma_wait3A_91 = arith.constant 0 : i32
      %dma_wait3A_92 = tpu.memref_slice %arg4[%add3A_25, %dma_wait3A_91] : memref<2560x128xi32, #tpu.memory_space<hbm>> -> memref<1x128xi32, #tpu.memory_space<hbm>>
      %dma_wait3A_93 = tpu.memref_squeeze %dma_wait3A_92 : memref<1x128xi32, #tpu.memory_space<hbm>> -> memref<128xi32, #tpu.memory_space<hbm>>
      tpu.wait_dma2 semaphore(%run_scoped3A_70 : memref<!tpu.dma_semaphore, #tpu.memory_space<semaphore_mem>>) src(%dma_wait3A_93 : memref<128xi32, #tpu.memory_space<hbm>>) dst(%dma_wait3A_90 : memref<128xi32, #tpu.memory_space<vmem>>)
      tpu.yield
    }) : () -> ()
    %dma_start3A_27 = arith.constant 1 : i32
    %dma_start3A_28 = arith.constant 1 : i32
    %dma_start3A_29 = arith.constant 0 : i32
    %dma_start3A_30 = arith.constant 0 : i32
    %dma_start3A_31 = tpu.memref_slice %arg9[%dma_start3A_28, %dma_start3A_29, %dma_start3A_30] : memref<3x128x128xf32, #tpu.memory_space<vmem>> -> memref<1x128x128xf32, #tpu.memory_space<vmem>>
    %dma_start3A_32 = tpu.memref_squeeze %dma_start3A_31 : memref<1x128x128xf32, #tpu.memory_space<vmem>> -> memref<128x128xf32, #tpu.memory_space<vmem>>
    %dma_start3A_33 = arith.constant 0 : i32
    %dma_start3A_34 = tpu.memref_slice %arg7[%dma_start3A_27, %dma_start3A_33] : memref<3x128xi32, #tpu.memory_space<vmem>> -> memref<1x128xi32, #tpu.memory_space<vmem>>
    %dma_start3A_35 = tpu.memref_squeeze %dma_start3A_34 : memref<1x128xi32, #tpu.memory_space<vmem>> -> memref<128xi32, #tpu.memory_space<vmem>>
    %dma_start3A_36 = arith.constant 0 : i32
    %dma_start3A_37 = arith.constant 0 : i32
    %dma_start3A_38 = tpu.memref_slice %arg2[%dma_start3A_36, %dma_start3A_37] : memref<160000x128xf32, #tpu.memory_space<hbm>> -> memref<160000x128xf32, #tpu.memory_space<hbm>>
    tpu.enqueue_indirect_dma source(%dma_start3A_38 : memref<160000x128xf32, #tpu.memory_space<hbm>>) target(%dma_start3A_32 : memref<128x128xf32, #tpu.memory_space<vmem>>) offsets(%dma_start3A_35 : memref<128xi32, #tpu.memory_space<vmem>>) semaphore(%arg12 : memref<!tpu.dma_semaphore, #tpu.memory_space<semaphore_mem>>)
    %add3A_39 = arith.constant 2 : i32
    %add3A_40 = arith.addi %mul3A_4, %add3A_39 : i32
    %run_scoped3A_41 = arith.constant 2 : i32
    "tpu.region"() ({
      %run_scoped3A_70 = tpu.sem_alloc : memref<!tpu.dma_semaphore, #tpu.memory_space<semaphore_mem>>
      %dma_start3A_71 = arith.constant 0 : i32
      %dma_start3A_72 = tpu.memref_slice %arg7[%run_scoped3A_41, %dma_start3A_71] : memref<3x128xi32, #tpu.memory_space<vmem>> -> memref<1x128xi32, #tpu.memory_space<vmem>>
      %dma_start3A_73 = tpu.memref_squeeze %dma_start3A_72 : memref<1x128xi32, #tpu.memory_space<vmem>> -> memref<128xi32, #tpu.memory_space<vmem>>
      %dma_start3A_74 = arith.constant 0 : i32
      %dma_start3A_75 = tpu.memref_slice %arg3[%add3A_40, %dma_start3A_74] : memref<2560x128xi32, #tpu.memory_space<hbm>> -> memref<1x128xi32, #tpu.memory_space<hbm>>
      %dma_start3A_76 = tpu.memref_squeeze %dma_start3A_75 : memref<1x128xi32, #tpu.memory_space<hbm>> -> memref<128xi32, #tpu.memory_space<hbm>>
      %dma_start3A_77 = arith.constant 0 : i32
      %dma_start3A_78 = tpu.memref_slice %arg7[%run_scoped3A_41, %dma_start3A_77] : memref<3x128xi32, #tpu.memory_space<vmem>> -> memref<1x128xi32, #tpu.memory_space<vmem>>
      %dma_start3A_79 = tpu.memref_squeeze %dma_start3A_78 : memref<1x128xi32, #tpu.memory_space<vmem>> -> memref<128xi32, #tpu.memory_space<vmem>>
      %dma_start3A_80 = arith.constant 0 : i32
      %dma_start3A_81 = tpu.memref_slice %arg3[%add3A_40, %dma_start3A_80] : memref<2560x128xi32, #tpu.memory_space<hbm>> -> memref<1x128xi32, #tpu.memory_space<hbm>>
      %dma_start3A_82 = tpu.memref_squeeze %dma_start3A_81 : memref<1x128xi32, #tpu.memory_space<hbm>> -> memref<128xi32, #tpu.memory_space<hbm>>
      tpu.enqueue_dma source(%dma_start3A_82 : memref<128xi32, #tpu.memory_space<hbm>>) target(%dma_start3A_79 : memref<128xi32, #tpu.memory_space<vmem>>) target_semaphore(%run_scoped3A_70 : memref<!tpu.dma_semaphore, #tpu.memory_space<semaphore_mem>>)
      %dma_wait3A = arith.constant 0 : i32
      %dma_wait3A_83 = tpu.memref_slice %arg7[%run_scoped3A_41, %dma_wait3A] : memref<3x128xi32, #tpu.memory_space<vmem>> -> memref<1x128xi32, #tpu.memory_space<vmem>>
      %dma_wait3A_84 = tpu.memref_squeeze %dma_wait3A_83 : memref<1x128xi32, #tpu.memory_space<vmem>> -> memref<128xi32, #tpu.memory_space<vmem>>
      %dma_wait3A_85 = arith.constant 0 : i32
      %dma_wait3A_86 = tpu.memref_slice %arg3[%add3A_40, %dma_wait3A_85] : memref<2560x128xi32, #tpu.memory_space<hbm>> -> memref<1x128xi32, #tpu.memory_space<hbm>>
      %dma_wait3A_87 = tpu.memref_squeeze %dma_wait3A_86 : memref<1x128xi32, #tpu.memory_space<hbm>> -> memref<128xi32, #tpu.memory_space<hbm>>
      %dma_wait3A_88 = arith.constant 0 : i32
      %dma_wait3A_89 = tpu.memref_slice %arg7[%run_scoped3A_41, %dma_wait3A_88] : memref<3x128xi32, #tpu.memory_space<vmem>> -> memref<1x128xi32, #tpu.memory_space<vmem>>
      %dma_wait3A_90 = tpu.memref_squeeze %dma_wait3A_89 : memref<1x128xi32, #tpu.memory_space<vmem>> -> memref<128xi32, #tpu.memory_space<vmem>>
      %dma_wait3A_91 = arith.constant 0 : i32
      %dma_wait3A_92 = tpu.memref_slice %arg3[%add3A_40, %dma_wait3A_91] : memref<2560x128xi32, #tpu.memory_space<hbm>> -> memref<1x128xi32, #tpu.memory_space<hbm>>
      %dma_wait3A_93 = tpu.memref_squeeze %dma_wait3A_92 : memref<1x128xi32, #tpu.memory_space<hbm>> -> memref<128xi32, #tpu.memory_space<hbm>>
      tpu.wait_dma2 semaphore(%run_scoped3A_70 : memref<!tpu.dma_semaphore, #tpu.memory_space<semaphore_mem>>) src(%dma_wait3A_93 : memref<128xi32, #tpu.memory_space<hbm>>) dst(%dma_wait3A_90 : memref<128xi32, #tpu.memory_space<vmem>>)
      tpu.yield
    }) : () -> ()
    %add3A_42 = arith.constant 2 : i32
    %add3A_43 = arith.addi %mul3A_4, %add3A_42 : i32
    %run_scoped3A_44 = arith.constant 2 : i32
    "tpu.region"() ({
      %run_scoped3A_70 = tpu.sem_alloc : memref<!tpu.dma_semaphore, #tpu.memory_space<semaphore_mem>>
      %dma_start3A_71 = arith.constant 0 : i32
      %dma_start3A_72 = tpu.memref_slice %arg8[%run_scoped3A_44, %dma_start3A_71] : memref<3x128xi32, #tpu.memory_space<vmem>> -> memref<1x128xi32, #tpu.memory_space<vmem>>
      %dma_start3A_73 = tpu.memref_squeeze %dma_start3A_72 : memref<1x128xi32, #tpu.memory_space<vmem>> -> memref<128xi32, #tpu.memory_space<vmem>>
      %dma_start3A_74 = arith.constant 0 : i32
      %dma_start3A_75 = tpu.memref_slice %arg4[%add3A_43, %dma_start3A_74] : memref<2560x128xi32, #tpu.memory_space<hbm>> -> memref<1x128xi32, #tpu.memory_space<hbm>>
      %dma_start3A_76 = tpu.memref_squeeze %dma_start3A_75 : memref<1x128xi32, #tpu.memory_space<hbm>> -> memref<128xi32, #tpu.memory_space<hbm>>
      %dma_start3A_77 = arith.constant 0 : i32
      %dma_start3A_78 = tpu.memref_slice %arg8[%run_scoped3A_44, %dma_start3A_77] : memref<3x128xi32, #tpu.memory_space<vmem>> -> memref<1x128xi32, #tpu.memory_space<vmem>>
      %dma_start3A_79 = tpu.memref_squeeze %dma_start3A_78 : memref<1x128xi32, #tpu.memory_space<vmem>> -> memref<128xi32, #tpu.memory_space<vmem>>
      %dma_start3A_80 = arith.constant 0 : i32
      %dma_start3A_81 = tpu.memref_slice %arg4[%add3A_43, %dma_start3A_80] : memref<2560x128xi32, #tpu.memory_space<hbm>> -> memref<1x128xi32, #tpu.memory_space<hbm>>
      %dma_start3A_82 = tpu.memref_squeeze %dma_start3A_81 : memref<1x128xi32, #tpu.memory_space<hbm>> -> memref<128xi32, #tpu.memory_space<hbm>>
      tpu.enqueue_dma source(%dma_start3A_82 : memref<128xi32, #tpu.memory_space<hbm>>) target(%dma_start3A_79 : memref<128xi32, #tpu.memory_space<vmem>>) target_semaphore(%run_scoped3A_70 : memref<!tpu.dma_semaphore, #tpu.memory_space<semaphore_mem>>)
      %dma_wait3A = arith.constant 0 : i32
      %dma_wait3A_83 = tpu.memref_slice %arg8[%run_scoped3A_44, %dma_wait3A] : memref<3x128xi32, #tpu.memory_space<vmem>> -> memref<1x128xi32, #tpu.memory_space<vmem>>
      %dma_wait3A_84 = tpu.memref_squeeze %dma_wait3A_83 : memref<1x128xi32, #tpu.memory_space<vmem>> -> memref<128xi32, #tpu.memory_space<vmem>>
      %dma_wait3A_85 = arith.constant 0 : i32
      %dma_wait3A_86 = tpu.memref_slice %arg4[%add3A_43, %dma_wait3A_85] : memref<2560x128xi32, #tpu.memory_space<hbm>> -> memref<1x128xi32, #tpu.memory_space<hbm>>
      %dma_wait3A_87 = tpu.memref_squeeze %dma_wait3A_86 : memref<1x128xi32, #tpu.memory_space<hbm>> -> memref<128xi32, #tpu.memory_space<hbm>>
      %dma_wait3A_88 = arith.constant 0 : i32
      %dma_wait3A_89 = tpu.memref_slice %arg8[%run_scoped3A_44, %dma_wait3A_88] : memref<3x128xi32, #tpu.memory_space<vmem>> -> memref<1x128xi32, #tpu.memory_space<vmem>>
      %dma_wait3A_90 = tpu.memref_squeeze %dma_wait3A_89 : memref<1x128xi32, #tpu.memory_space<vmem>> -> memref<128xi32, #tpu.memory_space<vmem>>
      %dma_wait3A_91 = arith.constant 0 : i32
      %dma_wait3A_92 = tpu.memref_slice %arg4[%add3A_43, %dma_wait3A_91] : memref<2560x128xi32, #tpu.memory_space<hbm>> -> memref<1x128xi32, #tpu.memory_space<hbm>>
      %dma_wait3A_93 = tpu.memref_squeeze %dma_wait3A_92 : memref<1x128xi32, #tpu.memory_space<hbm>> -> memref<128xi32, #tpu.memory_space<hbm>>
      tpu.wait_dma2 semaphore(%run_scoped3A_70 : memref<!tpu.dma_semaphore, #tpu.memory_space<semaphore_mem>>) src(%dma_wait3A_93 : memref<128xi32, #tpu.memory_space<hbm>>) dst(%dma_wait3A_90 : memref<128xi32, #tpu.memory_space<vmem>>)
      tpu.yield
    }) : () -> ()
    %dma_start3A_45 = arith.constant 2 : i32
    %dma_start3A_46 = arith.constant 2 : i32
    %dma_start3A_47 = arith.constant 0 : i32
    %dma_start3A_48 = arith.constant 0 : i32
    %dma_start3A_49 = tpu.memref_slice %arg9[%dma_start3A_46, %dma_start3A_47, %dma_start3A_48] : memref<3x128x128xf32, #tpu.memory_space<vmem>> -> memref<1x128x128xf32, #tpu.memory_space<vmem>>
    %dma_start3A_50 = tpu.memref_squeeze %dma_start3A_49 : memref<1x128x128xf32, #tpu.memory_space<vmem>> -> memref<128x128xf32, #tpu.memory_space<vmem>>
    %dma_start3A_51 = arith.constant 0 : i32
    %dma_start3A_52 = tpu.memref_slice %arg7[%dma_start3A_45, %dma_start3A_51] : memref<3x128xi32, #tpu.memory_space<vmem>> -> memref<1x128xi32, #tpu.memory_space<vmem>>
    %dma_start3A_53 = tpu.memref_squeeze %dma_start3A_52 : memref<1x128xi32, #tpu.memory_space<vmem>> -> memref<128xi32, #tpu.memory_space<vmem>>
    %dma_start3A_54 = arith.constant 0 : i32
    %dma_start3A_55 = arith.constant 0 : i32
    %dma_start3A_56 = tpu.memref_slice %arg2[%dma_start3A_54, %dma_start3A_55] : memref<160000x128xf32, #tpu.memory_space<hbm>> -> memref<160000x128xf32, #tpu.memory_space<hbm>>
    tpu.enqueue_indirect_dma source(%dma_start3A_56 : memref<160000x128xf32, #tpu.memory_space<hbm>>) target(%dma_start3A_50 : memref<128x128xf32, #tpu.memory_space<vmem>>) offsets(%dma_start3A_53 : memref<128xi32, #tpu.memory_space<vmem>>) semaphore(%arg13 : memref<!tpu.dma_semaphore, #tpu.memory_space<semaphore_mem>>)
    %scan3A = arith.constant 0 : i32
    %scan3A_57 = arith.constant 0 : i32
    %scan3A_58 = arith.constant 27 : i32
    %scan3A_59 = arith.addi %scan3A_57, %scan3A_58 : i32
    %scan3A_60 = arith.constant 1 : i32
    scf.for %scan3A_70 = %scan3A_57 to %scan3A_59 step %scan3A_60  : i32 {
      %mul3A_71 = arith.constant 3 : i32
      %mul3A_72 = arith.muli %scan3A_70, %mul3A_71 : i32
      %add3A_73 = arith.constant 0 : i32
      %add3A_74 = arith.addi %mul3A_72, %add3A_73 : i32
      %lt3A = arith.constant 80 : i32
      %lt3A_75 = arith.cmpi slt, %add3A_74, %lt3A : i32
      %convert_element_type3A = arith.extui %lt3A_75 : i1 to i32
      %cond3A = arith.constant 0 : i32
      %cond3A_76 = arith.cmpi ne, %convert_element_type3A, %cond3A : i32
      scf.if %cond3A_76 {
        %dma_wait3A = arith.constant 0 : i32
        %dma_wait3A_95 = arith.constant 0 : i32
        %dma_wait3A_96 = arith.constant 0 : i32
        %dma_wait3A_97 = arith.constant 0 : i32
        %dma_wait3A_98 = tpu.memref_slice %arg9[%dma_wait3A_95, %dma_wait3A_96, %dma_wait3A_97] : memref<3x128x128xf32, #tpu.memory_space<vmem>> -> memref<1x128x128xf32, #tpu.memory_space<vmem>>
        %dma_wait3A_99 = tpu.memref_squeeze %dma_wait3A_98 : memref<1x128x128xf32, #tpu.memory_space<vmem>> -> memref<128x128xf32, #tpu.memory_space<vmem>>
        %dma_wait3A_100 = arith.constant 0 : i32
        %dma_wait3A_101 = tpu.memref_slice %arg7[%dma_wait3A, %dma_wait3A_100] : memref<3x128xi32, #tpu.memory_space<vmem>> -> memref<1x128xi32, #tpu.memory_space<vmem>>
        %dma_wait3A_102 = tpu.memref_squeeze %dma_wait3A_101 : memref<1x128xi32, #tpu.memory_space<vmem>> -> memref<128xi32, #tpu.memory_space<vmem>>
        %dma_wait3A_103 = arith.constant 0 : i32
        %dma_wait3A_104 = arith.constant 0 : i32
        %dma_wait3A_105 = tpu.memref_slice %arg2[%dma_wait3A_103, %dma_wait3A_104] : memref<160000x128xf32, #tpu.memory_space<hbm>> -> memref<160000x128xf32, #tpu.memory_space<hbm>>
        tpu.wait_indirect_dma semaphore(%arg11 : memref<!tpu.dma_semaphore, #tpu.memory_space<semaphore_mem>>) src(%dma_wait3A_105 : memref<160000x128xf32, #tpu.memory_space<hbm>>) dst(%dma_wait3A_99 : memref<128x128xf32, #tpu.memory_space<vmem>>)
        %add3A_106 = arith.constant 3 : i32
        %add3A_107 = arith.addi %add3A_74, %add3A_106 : i32
        %lt3A_108 = arith.constant 80 : i32
        %lt3A_109 = arith.cmpi slt, %add3A_107, %lt3A_108 : i32
        %convert_element_type3A_110 = arith.extui %lt3A_109 : i1 to i32
        %cond3A_111 = arith.constant 0 : i32
        %cond3A_112 = arith.cmpi ne, %convert_element_type3A_110, %cond3A_111 : i32
        scf.if %cond3A_112 {
          %add3A_118 = arith.addi %mul3A_4, %add3A_74 : i32
          %add3A_119 = arith.constant 3 : i32
          %add3A_120 = arith.addi %add3A_118, %add3A_119 : i32
          %dma_start3A_121 = arith.constant 0 : i32
          %dma_start3A_122 = arith.constant 0 : i32
          %dma_start3A_123 = tpu.memref_slice %arg7[%dma_start3A_121, %dma_start3A_122] : memref<3x128xi32, #tpu.memory_space<vmem>> -> memref<1x128xi32, #tpu.memory_space<vmem>>
          %dma_start3A_124 = tpu.memref_squeeze %dma_start3A_123 : memref<1x128xi32, #tpu.memory_space<vmem>> -> memref<128xi32, #tpu.memory_space<vmem>>
          %dma_start3A_125 = arith.constant 0 : i32
          %dma_start3A_126 = tpu.memref_slice %arg3[%add3A_120, %dma_start3A_125] : memref<2560x128xi32, #tpu.memory_space<hbm>> -> memref<1x128xi32, #tpu.memory_space<hbm>>
          %dma_start3A_127 = tpu.memref_squeeze %dma_start3A_126 : memref<1x128xi32, #tpu.memory_space<hbm>> -> memref<128xi32, #tpu.memory_space<hbm>>
          %dma_start3A_128 = arith.constant 0 : i32
          %dma_start3A_129 = tpu.memref_slice %arg7[%dma_start3A_121, %dma_start3A_128] : memref<3x128xi32, #tpu.memory_space<vmem>> -> memref<1x128xi32, #tpu.memory_space<vmem>>
          %dma_start3A_130 = tpu.memref_squeeze %dma_start3A_129 : memref<1x128xi32, #tpu.memory_space<vmem>> -> memref<128xi32, #tpu.memory_space<vmem>>
          %dma_start3A_131 = arith.constant 0 : i32
          %dma_start3A_132 = tpu.memref_slice %arg3[%add3A_120, %dma_start3A_131] : memref<2560x128xi32, #tpu.memory_space<hbm>> -> memref<1x128xi32, #tpu.memory_space<hbm>>
          %dma_start3A_133 = tpu.memref_squeeze %dma_start3A_132 : memref<1x128xi32, #tpu.memory_space<hbm>> -> memref<128xi32, #tpu.memory_space<hbm>>
          tpu.enqueue_dma source(%dma_start3A_133 : memref<128xi32, #tpu.memory_space<hbm>>) target(%dma_start3A_130 : memref<128xi32, #tpu.memory_space<vmem>>) target_semaphore(%arg14 : memref<!tpu.dma_semaphore, #tpu.memory_space<semaphore_mem>>)
        } else {
        }
        %run_scoped3A_113 = arith.constant 0 : i32
        %run_scoped3A_114 = arith.constant 0 : i32
        "tpu.region"() ({
          %run_scoped3A_118 = tpu.sem_alloc : memref<!tpu.dma_semaphore, #tpu.memory_space<semaphore_mem>>
          %dma_start3A_119 = arith.constant 0 : i32
          %dma_start3A_120 = arith.constant 0 : i32
          %dma_start3A_121 = tpu.memref_slice %arg9[%run_scoped3A_113, %dma_start3A_119, %dma_start3A_120] : memref<3x128x128xf32, #tpu.memory_space<vmem>> -> memref<1x128x128xf32, #tpu.memory_space<vmem>>
          %dma_start3A_122 = tpu.memref_squeeze %dma_start3A_121 : memref<1x128x128xf32, #tpu.memory_space<vmem>> -> memref<128x128xf32, #tpu.memory_space<vmem>>
          %dma_start3A_123 = arith.constant 0 : i32
          %dma_start3A_124 = tpu.memref_slice %arg8[%run_scoped3A_114, %dma_start3A_123] : memref<3x128xi32, #tpu.memory_space<vmem>> -> memref<1x128xi32, #tpu.memory_space<vmem>>
          %dma_start3A_125 = tpu.memref_squeeze %dma_start3A_124 : memref<1x128xi32, #tpu.memory_space<vmem>> -> memref<128xi32, #tpu.memory_space<vmem>>
          %dma_start3A_126 = arith.constant 0 : i32
          %dma_start3A_127 = arith.constant 0 : i32
          %dma_start3A_128 = tpu.memref_slice %arg10[%dma_start3A_126, %dma_start3A_127] : memref<10112x128xf32, #tpu.memory_space<vmem_shared>> -> memref<10112x128xf32, #tpu.memory_space<vmem_shared>>
          tpu.enqueue_indirect_dma source(%dma_start3A_122 : memref<128x128xf32, #tpu.memory_space<vmem>>) target(%dma_start3A_128 : memref<10112x128xf32, #tpu.memory_space<vmem_shared>>) offsets(%dma_start3A_125 : memref<128xi32, #tpu.memory_space<vmem>>) semaphore(%run_scoped3A_118 : memref<!tpu.dma_semaphore, #tpu.memory_space<semaphore_mem>>) {add = true}
          %dma_wait3A_129 = arith.constant 0 : i32
          %dma_wait3A_130 = arith.constant 0 : i32
          %dma_wait3A_131 = tpu.memref_slice %arg9[%run_scoped3A_113, %dma_wait3A_129, %dma_wait3A_130] : memref<3x128x128xf32, #tpu.memory_space<vmem>> -> memref<1x128x128xf32, #tpu.memory_space<vmem>>
          %dma_wait3A_132 = tpu.memref_squeeze %dma_wait3A_131 : memref<1x128x128xf32, #tpu.memory_space<vmem>> -> memref<128x128xf32, #tpu.memory_space<vmem>>
          %dma_wait3A_133 = arith.constant 0 : i32
          %dma_wait3A_134 = tpu.memref_slice %arg8[%run_scoped3A_114, %dma_wait3A_133] : memref<3x128xi32, #tpu.memory_space<vmem>> -> memref<1x128xi32, #tpu.memory_space<vmem>>
          %dma_wait3A_135 = tpu.memref_squeeze %dma_wait3A_134 : memref<1x128xi32, #tpu.memory_space<vmem>> -> memref<128xi32, #tpu.memory_space<vmem>>
          %dma_wait3A_136 = arith.constant 0 : i32
          %dma_wait3A_137 = arith.constant 0 : i32
          %dma_wait3A_138 = tpu.memref_slice %arg10[%dma_wait3A_136, %dma_wait3A_137] : memref<10112x128xf32, #tpu.memory_space<vmem_shared>> -> memref<10112x128xf32, #tpu.memory_space<vmem_shared>>
          tpu.wait_indirect_dma semaphore(%run_scoped3A_118 : memref<!tpu.dma_semaphore, #tpu.memory_space<semaphore_mem>>) src(%dma_wait3A_132 : memref<128x128xf32, #tpu.memory_space<vmem>>) dst(%dma_wait3A_138 : memref<10112x128xf32, #tpu.memory_space<vmem_shared>>)
          tpu.yield
        }) : () -> ()
        %convert_element_type3A_115 = arith.extui %lt3A_109 : i1 to i32
        %cond3A_116 = arith.constant 0 : i32
        %cond3A_117 = arith.cmpi ne, %convert_element_type3A_115, %cond3A_116 : i32
        scf.if %cond3A_117 {
          %add3A_118 = arith.addi %mul3A_4, %add3A_74 : i32
          %add3A_119 = arith.constant 3 : i32
          %add3A_120 = arith.addi %add3A_118, %add3A_119 : i32
          %dma_start3A_121 = arith.constant 0 : i32
          %dma_start3A_122 = arith.constant 0 : i32
          %dma_start3A_123 = tpu.memref_slice %arg8[%dma_start3A_121, %dma_start3A_122] : memref<3x128xi32, #tpu.memory_space<vmem>> -> memref<1x128xi32, #tpu.memory_space<vmem>>
          %dma_start3A_124 = tpu.memref_squeeze %dma_start3A_123 : memref<1x128xi32, #tpu.memory_space<vmem>> -> memref<128xi32, #tpu.memory_space<vmem>>
          %dma_start3A_125 = arith.constant 0 : i32
          %dma_start3A_126 = tpu.memref_slice %arg4[%add3A_120, %dma_start3A_125] : memref<2560x128xi32, #tpu.memory_space<hbm>> -> memref<1x128xi32, #tpu.memory_space<hbm>>
          %dma_start3A_127 = tpu.memref_squeeze %dma_start3A_126 : memref<1x128xi32, #tpu.memory_space<hbm>> -> memref<128xi32, #tpu.memory_space<hbm>>
          %dma_start3A_128 = arith.constant 0 : i32
          %dma_start3A_129 = tpu.memref_slice %arg8[%dma_start3A_121, %dma_start3A_128] : memref<3x128xi32, #tpu.memory_space<vmem>> -> memref<1x128xi32, #tpu.memory_space<vmem>>
          %dma_start3A_130 = tpu.memref_squeeze %dma_start3A_129 : memref<1x128xi32, #tpu.memory_space<vmem>> -> memref<128xi32, #tpu.memory_space<vmem>>
          %dma_start3A_131 = arith.constant 0 : i32
          %dma_start3A_132 = tpu.memref_slice %arg4[%add3A_120, %dma_start3A_131] : memref<2560x128xi32, #tpu.memory_space<hbm>> -> memref<1x128xi32, #tpu.memory_space<hbm>>
          %dma_start3A_133 = tpu.memref_squeeze %dma_start3A_132 : memref<1x128xi32, #tpu.memory_space<hbm>> -> memref<128xi32, #tpu.memory_space<hbm>>
          tpu.enqueue_dma source(%dma_start3A_133 : memref<128xi32, #tpu.memory_space<hbm>>) target(%dma_start3A_130 : memref<128xi32, #tpu.memory_space<vmem>>) target_semaphore(%arg17 : memref<!tpu.dma_semaphore, #tpu.memory_space<semaphore_mem>>)
          %add3A_134 = arith.addi %mul3A_4, %add3A_74 : i32
          %add3A_135 = arith.constant 3 : i32
          %add3A_136 = arith.addi %add3A_134, %add3A_135 : i32
          %dma_wait3A_137 = arith.constant 0 : i32
          %dma_wait3A_138 = arith.constant 0 : i32
          %dma_wait3A_139 = tpu.memref_slice %arg7[%dma_wait3A_137, %dma_wait3A_138] : memref<3x128xi32, #tpu.memory_space<vmem>> -> memref<1x128xi32, #tpu.memory_space<vmem>>
          %dma_wait3A_140 = tpu.memref_squeeze %dma_wait3A_139 : memref<1x128xi32, #tpu.memory_space<vmem>> -> memref<128xi32, #tpu.memory_space<vmem>>
          %dma_wait3A_141 = arith.constant 0 : i32
          %dma_wait3A_142 = tpu.memref_slice %arg3[%add3A_136, %dma_wait3A_141] : memref<2560x128xi32, #tpu.memory_space<hbm>> -> memref<1x128xi32, #tpu.memory_space<hbm>>
          %dma_wait3A_143 = tpu.memref_squeeze %dma_wait3A_142 : memref<1x128xi32, #tpu.memory_space<hbm>> -> memref<128xi32, #tpu.memory_space<hbm>>
          %dma_wait3A_144 = arith.constant 0 : i32
          %dma_wait3A_145 = tpu.memref_slice %arg7[%dma_wait3A_137, %dma_wait3A_144] : memref<3x128xi32, #tpu.memory_space<vmem>> -> memref<1x128xi32, #tpu.memory_space<vmem>>
          %dma_wait3A_146 = tpu.memref_squeeze %dma_wait3A_145 : memref<1x128xi32, #tpu.memory_space<vmem>> -> memref<128xi32, #tpu.memory_space<vmem>>
          %dma_wait3A_147 = arith.constant 0 : i32
          %dma_wait3A_148 = tpu.memref_slice %arg3[%add3A_136, %dma_wait3A_147] : memref<2560x128xi32, #tpu.memory_space<hbm>> -> memref<1x128xi32, #tpu.memory_space<hbm>>
          %dma_wait3A_149 = tpu.memref_squeeze %dma_wait3A_148 : memref<1x128xi32, #tpu.memory_space<hbm>> -> memref<128xi32, #tpu.memory_space<hbm>>
          tpu.wait_dma2 semaphore(%arg14 : memref<!tpu.dma_semaphore, #tpu.memory_space<semaphore_mem>>) src(%dma_wait3A_149 : memref<128xi32, #tpu.memory_space<hbm>>) dst(%dma_wait3A_146 : memref<128xi32, #tpu.memory_space<vmem>>)
          %dma_start3A_150 = arith.constant 0 : i32
          %dma_start3A_151 = arith.constant 0 : i32
          %dma_start3A_152 = arith.constant 0 : i32
          %dma_start3A_153 = arith.constant 0 : i32
          %dma_start3A_154 = tpu.memref_slice %arg9[%dma_start3A_151, %dma_start3A_152, %dma_start3A_153] : memref<3x128x128xf32, #tpu.memory_space<vmem>> -> memref<1x128x128xf32, #tpu.memory_space<vmem>>
          %dma_start3A_155 = tpu.memref_squeeze %dma_start3A_154 : memref<1x128x128xf32, #tpu.memory_space<vmem>> -> memref<128x128xf32, #tpu.memory_space<vmem>>
          %dma_start3A_156 = arith.constant 0 : i32
          %dma_start3A_157 = tpu.memref_slice %arg7[%dma_start3A_150, %dma_start3A_156] : memref<3x128xi32, #tpu.memory_space<vmem>> -> memref<1x128xi32, #tpu.memory_space<vmem>>
          %dma_start3A_158 = tpu.memref_squeeze %dma_start3A_157 : memref<1x128xi32, #tpu.memory_space<vmem>> -> memref<128xi32, #tpu.memory_space<vmem>>
          %dma_start3A_159 = arith.constant 0 : i32
          %dma_start3A_160 = arith.constant 0 : i32
          %dma_start3A_161 = tpu.memref_slice %arg2[%dma_start3A_159, %dma_start3A_160] : memref<160000x128xf32, #tpu.memory_space<hbm>> -> memref<160000x128xf32, #tpu.memory_space<hbm>>
          tpu.enqueue_indirect_dma source(%dma_start3A_161 : memref<160000x128xf32, #tpu.memory_space<hbm>>) target(%dma_start3A_155 : memref<128x128xf32, #tpu.memory_space<vmem>>) offsets(%dma_start3A_158 : memref<128xi32, #tpu.memory_space<vmem>>) semaphore(%arg11 : memref<!tpu.dma_semaphore, #tpu.memory_space<semaphore_mem>>)
          %add3A_162 = arith.addi %mul3A_4, %add3A_74 : i32
          %add3A_163 = arith.constant 3 : i32
          %add3A_164 = arith.addi %add3A_162, %add3A_163 : i32
          %dma_wait3A_165 = arith.constant 0 : i32
          %dma_wait3A_166 = arith.constant 0 : i32
          %dma_wait3A_167 = tpu.memref_slice %arg8[%dma_wait3A_165, %dma_wait3A_166] : memref<3x128xi32, #tpu.memory_space<vmem>> -> memref<1x128xi32, #tpu.memory_space<vmem>>
          %dma_wait3A_168 = tpu.memref_squeeze %dma_wait3A_167 : memref<1x128xi32, #tpu.memory_space<vmem>> -> memref<128xi32, #tpu.memory_space<vmem>>
          %dma_wait3A_169 = arith.constant 0 : i32
          %dma_wait3A_170 = tpu.memref_slice %arg4[%add3A_164, %dma_wait3A_169] : memref<2560x128xi32, #tpu.memory_space<hbm>> -> memref<1x128xi32, #tpu.memory_space<hbm>>
          %dma_wait3A_171 = tpu.memref_squeeze %dma_wait3A_170 : memref<1x128xi32, #tpu.memory_space<hbm>> -> memref<128xi32, #tpu.memory_space<hbm>>
          %dma_wait3A_172 = arith.constant 0 : i32
          %dma_wait3A_173 = tpu.memref_slice %arg8[%dma_wait3A_165, %dma_wait3A_172] : memref<3x128xi32, #tpu.memory_space<vmem>> -> memref<1x128xi32, #tpu.memory_space<vmem>>
          %dma_wait3A_174 = tpu.memref_squeeze %dma_wait3A_173 : memref<1x128xi32, #tpu.memory_space<vmem>> -> memref<128xi32, #tpu.memory_space<vmem>>
          %dma_wait3A_175 = arith.constant 0 : i32
          %dma_wait3A_176 = tpu.memref_slice %arg4[%add3A_164, %dma_wait3A_175] : memref<2560x128xi32, #tpu.memory_space<hbm>> -> memref<1x128xi32, #tpu.memory_space<hbm>>
          %dma_wait3A_177 = tpu.memref_squeeze %dma_wait3A_176 : memref<1x128xi32, #tpu.memory_space<hbm>> -> memref<128xi32, #tpu.memory_space<hbm>>
          tpu.wait_dma2 semaphore(%arg17 : memref<!tpu.dma_semaphore, #tpu.memory_space<semaphore_mem>>) src(%dma_wait3A_177 : memref<128xi32, #tpu.memory_space<hbm>>) dst(%dma_wait3A_174 : memref<128xi32, #tpu.memory_space<vmem>>)
        } else {
        }
      } else {
      }
      %mul3A_77 = arith.constant 3 : i32
      %mul3A_78 = arith.muli %scan3A_70, %mul3A_77 : i32
      %add3A_79 = arith.constant 1 : i32
      %add3A_80 = arith.addi %mul3A_78, %add3A_79 : i32
      %lt3A_81 = arith.constant 80 : i32
      %lt3A_82 = arith.cmpi slt, %add3A_80, %lt3A_81 : i32
      %convert_element_type3A_83 = arith.extui %lt3A_82 : i1 to i32
      %cond3A_84 = arith.constant 0 : i32
      %cond3A_85 = arith.cmpi ne, %convert_element_type3A_83, %cond3A_84 : i32
      scf.if %cond3A_85 {
        %dma_wait3A = arith.constant 1 : i32
        %dma_wait3A_95 = arith.constant 1 : i32
        %dma_wait3A_96 = arith.constant 0 : i32
        %dma_wait3A_97 = arith.constant 0 : i32
        %dma_wait3A_98 = tpu.memref_slice %arg9[%dma_wait3A_95, %dma_wait3A_96, %dma_wait3A_97] : memref<3x128x128xf32, #tpu.memory_space<vmem>> -> memref<1x128x128xf32, #tpu.memory_space<vmem>>
        %dma_wait3A_99 = tpu.memref_squeeze %dma_wait3A_98 : memref<1x128x128xf32, #tpu.memory_space<vmem>> -> memref<128x128xf32, #tpu.memory_space<vmem>>
        %dma_wait3A_100 = arith.constant 0 : i32
        %dma_wait3A_101 = tpu.memref_slice %arg7[%dma_wait3A, %dma_wait3A_100] : memref<3x128xi32, #tpu.memory_space<vmem>> -> memref<1x128xi32, #tpu.memory_space<vmem>>
        %dma_wait3A_102 = tpu.memref_squeeze %dma_wait3A_101 : memref<1x128xi32, #tpu.memory_space<vmem>> -> memref<128xi32, #tpu.memory_space<vmem>>
        %dma_wait3A_103 = arith.constant 0 : i32
        %dma_wait3A_104 = arith.constant 0 : i32
        %dma_wait3A_105 = tpu.memref_slice %arg2[%dma_wait3A_103, %dma_wait3A_104] : memref<160000x128xf32, #tpu.memory_space<hbm>> -> memref<160000x128xf32, #tpu.memory_space<hbm>>
        tpu.wait_indirect_dma semaphore(%arg12 : memref<!tpu.dma_semaphore, #tpu.memory_space<semaphore_mem>>) src(%dma_wait3A_105 : memref<160000x128xf32, #tpu.memory_space<hbm>>) dst(%dma_wait3A_99 : memref<128x128xf32, #tpu.memory_space<vmem>>)
        %add3A_106 = arith.constant 3 : i32
        %add3A_107 = arith.addi %add3A_80, %add3A_106 : i32
        %lt3A_108 = arith.constant 80 : i32
        %lt3A_109 = arith.cmpi slt, %add3A_107, %lt3A_108 : i32
        %convert_element_type3A_110 = arith.extui %lt3A_109 : i1 to i32
        %cond3A_111 = arith.constant 0 : i32
        %cond3A_112 = arith.cmpi ne, %convert_element_type3A_110, %cond3A_111 : i32
        scf.if %cond3A_112 {
          %add3A_118 = arith.addi %mul3A_4, %add3A_80 : i32
          %add3A_119 = arith.constant 3 : i32
          %add3A_120 = arith.addi %add3A_118, %add3A_119 : i32
          %dma_start3A_121 = arith.constant 1 : i32
          %dma_start3A_122 = arith.constant 0 : i32
          %dma_start3A_123 = tpu.memref_slice %arg7[%dma_start3A_121, %dma_start3A_122] : memref<3x128xi32, #tpu.memory_space<vmem>> -> memref<1x128xi32, #tpu.memory_space<vmem>>
          %dma_start3A_124 = tpu.memref_squeeze %dma_start3A_123 : memref<1x128xi32, #tpu.memory_space<vmem>> -> memref<128xi32, #tpu.memory_space<vmem>>
          %dma_start3A_125 = arith.constant 0 : i32
          %dma_start3A_126 = tpu.memref_slice %arg3[%add3A_120, %dma_start3A_125] : memref<2560x128xi32, #tpu.memory_space<hbm>> -> memref<1x128xi32, #tpu.memory_space<hbm>>
          %dma_start3A_127 = tpu.memref_squeeze %dma_start3A_126 : memref<1x128xi32, #tpu.memory_space<hbm>> -> memref<128xi32, #tpu.memory_space<hbm>>
          %dma_start3A_128 = arith.constant 0 : i32
          %dma_start3A_129 = tpu.memref_slice %arg7[%dma_start3A_121, %dma_start3A_128] : memref<3x128xi32, #tpu.memory_space<vmem>> -> memref<1x128xi32, #tpu.memory_space<vmem>>
          %dma_start3A_130 = tpu.memref_squeeze %dma_start3A_129 : memref<1x128xi32, #tpu.memory_space<vmem>> -> memref<128xi32, #tpu.memory_space<vmem>>
          %dma_start3A_131 = arith.constant 0 : i32
          %dma_start3A_132 = tpu.memref_slice %arg3[%add3A_120, %dma_start3A_131] : memref<2560x128xi32, #tpu.memory_space<hbm>> -> memref<1x128xi32, #tpu.memory_space<hbm>>
          %dma_start3A_133 = tpu.memref_squeeze %dma_start3A_132 : memref<1x128xi32, #tpu.memory_space<hbm>> -> memref<128xi32, #tpu.memory_space<hbm>>
          tpu.enqueue_dma source(%dma_start3A_133 : memref<128xi32, #tpu.memory_space<hbm>>) target(%dma_start3A_130 : memref<128xi32, #tpu.memory_space<vmem>>) target_semaphore(%arg15 : memref<!tpu.dma_semaphore, #tpu.memory_space<semaphore_mem>>)
        } else {
        }
        %run_scoped3A_113 = arith.constant 1 : i32
        %run_scoped3A_114 = arith.constant 1 : i32
        "tpu.region"() ({
          %run_scoped3A_118 = tpu.sem_alloc : memref<!tpu.dma_semaphore, #tpu.memory_space<semaphore_mem>>
          %dma_start3A_119 = arith.constant 0 : i32
          %dma_start3A_120 = arith.constant 0 : i32
          %dma_start3A_121 = tpu.memref_slice %arg9[%run_scoped3A_113, %dma_start3A_119, %dma_start3A_120] : memref<3x128x128xf32, #tpu.memory_space<vmem>> -> memref<1x128x128xf32, #tpu.memory_space<vmem>>
          %dma_start3A_122 = tpu.memref_squeeze %dma_start3A_121 : memref<1x128x128xf32, #tpu.memory_space<vmem>> -> memref<128x128xf32, #tpu.memory_space<vmem>>
          %dma_start3A_123 = arith.constant 0 : i32
          %dma_start3A_124 = tpu.memref_slice %arg8[%run_scoped3A_114, %dma_start3A_123] : memref<3x128xi32, #tpu.memory_space<vmem>> -> memref<1x128xi32, #tpu.memory_space<vmem>>
          %dma_start3A_125 = tpu.memref_squeeze %dma_start3A_124 : memref<1x128xi32, #tpu.memory_space<vmem>> -> memref<128xi32, #tpu.memory_space<vmem>>
          %dma_start3A_126 = arith.constant 0 : i32
          %dma_start3A_127 = arith.constant 0 : i32
          %dma_start3A_128 = tpu.memref_slice %arg10[%dma_start3A_126, %dma_start3A_127] : memref<10112x128xf32, #tpu.memory_space<vmem_shared>> -> memref<10112x128xf32, #tpu.memory_space<vmem_shared>>
          tpu.enqueue_indirect_dma source(%dma_start3A_122 : memref<128x128xf32, #tpu.memory_space<vmem>>) target(%dma_start3A_128 : memref<10112x128xf32, #tpu.memory_space<vmem_shared>>) offsets(%dma_start3A_125 : memref<128xi32, #tpu.memory_space<vmem>>) semaphore(%run_scoped3A_118 : memref<!tpu.dma_semaphore, #tpu.memory_space<semaphore_mem>>) {add = true}
          %dma_wait3A_129 = arith.constant 0 : i32
          %dma_wait3A_130 = arith.constant 0 : i32
          %dma_wait3A_131 = tpu.memref_slice %arg9[%run_scoped3A_113, %dma_wait3A_129, %dma_wait3A_130] : memref<3x128x128xf32, #tpu.memory_space<vmem>> -> memref<1x128x128xf32, #tpu.memory_space<vmem>>
          %dma_wait3A_132 = tpu.memref_squeeze %dma_wait3A_131 : memref<1x128x128xf32, #tpu.memory_space<vmem>> -> memref<128x128xf32, #tpu.memory_space<vmem>>
          %dma_wait3A_133 = arith.constant 0 : i32
          %dma_wait3A_134 = tpu.memref_slice %arg8[%run_scoped3A_114, %dma_wait3A_133] : memref<3x128xi32, #tpu.memory_space<vmem>> -> memref<1x128xi32, #tpu.memory_space<vmem>>
          %dma_wait3A_135 = tpu.memref_squeeze %dma_wait3A_134 : memref<1x128xi32, #tpu.memory_space<vmem>> -> memref<128xi32, #tpu.memory_space<vmem>>
          %dma_wait3A_136 = arith.constant 0 : i32
          %dma_wait3A_137 = arith.constant 0 : i32
          %dma_wait3A_138 = tpu.memref_slice %arg10[%dma_wait3A_136, %dma_wait3A_137] : memref<10112x128xf32, #tpu.memory_space<vmem_shared>> -> memref<10112x128xf32, #tpu.memory_space<vmem_shared>>
          tpu.wait_indirect_dma semaphore(%run_scoped3A_118 : memref<!tpu.dma_semaphore, #tpu.memory_space<semaphore_mem>>) src(%dma_wait3A_132 : memref<128x128xf32, #tpu.memory_space<vmem>>) dst(%dma_wait3A_138 : memref<10112x128xf32, #tpu.memory_space<vmem_shared>>)
          tpu.yield
        }) : () -> ()
        %convert_element_type3A_115 = arith.extui %lt3A_109 : i1 to i32
        %cond3A_116 = arith.constant 0 : i32
        %cond3A_117 = arith.cmpi ne, %convert_element_type3A_115, %cond3A_116 : i32
        scf.if %cond3A_117 {
          %add3A_118 = arith.addi %mul3A_4, %add3A_80 : i32
          %add3A_119 = arith.constant 3 : i32
          %add3A_120 = arith.addi %add3A_118, %add3A_119 : i32
          %dma_start3A_121 = arith.constant 1 : i32
          %dma_start3A_122 = arith.constant 0 : i32
          %dma_start3A_123 = tpu.memref_slice %arg8[%dma_start3A_121, %dma_start3A_122] : memref<3x128xi32, #tpu.memory_space<vmem>> -> memref<1x128xi32, #tpu.memory_space<vmem>>
          %dma_start3A_124 = tpu.memref_squeeze %dma_start3A_123 : memref<1x128xi32, #tpu.memory_space<vmem>> -> memref<128xi32, #tpu.memory_space<vmem>>
          %dma_start3A_125 = arith.constant 0 : i32
          %dma_start3A_126 = tpu.memref_slice %arg4[%add3A_120, %dma_start3A_125] : memref<2560x128xi32, #tpu.memory_space<hbm>> -> memref<1x128xi32, #tpu.memory_space<hbm>>
          %dma_start3A_127 = tpu.memref_squeeze %dma_start3A_126 : memref<1x128xi32, #tpu.memory_space<hbm>> -> memref<128xi32, #tpu.memory_space<hbm>>
          %dma_start3A_128 = arith.constant 0 : i32
          %dma_start3A_129 = tpu.memref_slice %arg8[%dma_start3A_121, %dma_start3A_128] : memref<3x128xi32, #tpu.memory_space<vmem>> -> memref<1x128xi32, #tpu.memory_space<vmem>>
          %dma_start3A_130 = tpu.memref_squeeze %dma_start3A_129 : memref<1x128xi32, #tpu.memory_space<vmem>> -> memref<128xi32, #tpu.memory_space<vmem>>
          %dma_start3A_131 = arith.constant 0 : i32
          %dma_start3A_132 = tpu.memref_slice %arg4[%add3A_120, %dma_start3A_131] : memref<2560x128xi32, #tpu.memory_space<hbm>> -> memref<1x128xi32, #tpu.memory_space<hbm>>
          %dma_start3A_133 = tpu.memref_squeeze %dma_start3A_132 : memref<1x128xi32, #tpu.memory_space<hbm>> -> memref<128xi32, #tpu.memory_space<hbm>>
          tpu.enqueue_dma source(%dma_start3A_133 : memref<128xi32, #tpu.memory_space<hbm>>) target(%dma_start3A_130 : memref<128xi32, #tpu.memory_space<vmem>>) target_semaphore(%arg18 : memref<!tpu.dma_semaphore, #tpu.memory_space<semaphore_mem>>)
          %add3A_134 = arith.addi %mul3A_4, %add3A_80 : i32
          %add3A_135 = arith.constant 3 : i32
          %add3A_136 = arith.addi %add3A_134, %add3A_135 : i32
          %dma_wait3A_137 = arith.constant 1 : i32
          %dma_wait3A_138 = arith.constant 0 : i32
          %dma_wait3A_139 = tpu.memref_slice %arg7[%dma_wait3A_137, %dma_wait3A_138] : memref<3x128xi32, #tpu.memory_space<vmem>> -> memref<1x128xi32, #tpu.memory_space<vmem>>
          %dma_wait3A_140 = tpu.memref_squeeze %dma_wait3A_139 : memref<1x128xi32, #tpu.memory_space<vmem>> -> memref<128xi32, #tpu.memory_space<vmem>>
          %dma_wait3A_141 = arith.constant 0 : i32
          %dma_wait3A_142 = tpu.memref_slice %arg3[%add3A_136, %dma_wait3A_141] : memref<2560x128xi32, #tpu.memory_space<hbm>> -> memref<1x128xi32, #tpu.memory_space<hbm>>
          %dma_wait3A_143 = tpu.memref_squeeze %dma_wait3A_142 : memref<1x128xi32, #tpu.memory_space<hbm>> -> memref<128xi32, #tpu.memory_space<hbm>>
          %dma_wait3A_144 = arith.constant 0 : i32
          %dma_wait3A_145 = tpu.memref_slice %arg7[%dma_wait3A_137, %dma_wait3A_144] : memref<3x128xi32, #tpu.memory_space<vmem>> -> memref<1x128xi32, #tpu.memory_space<vmem>>
          %dma_wait3A_146 = tpu.memref_squeeze %dma_wait3A_145 : memref<1x128xi32, #tpu.memory_space<vmem>> -> memref<128xi32, #tpu.memory_space<vmem>>
          %dma_wait3A_147 = arith.constant 0 : i32
          %dma_wait3A_148 = tpu.memref_slice %arg3[%add3A_136, %dma_wait3A_147] : memref<2560x128xi32, #tpu.memory_space<hbm>> -> memref<1x128xi32, #tpu.memory_space<hbm>>
          %dma_wait3A_149 = tpu.memref_squeeze %dma_wait3A_148 : memref<1x128xi32, #tpu.memory_space<hbm>> -> memref<128xi32, #tpu.memory_space<hbm>>
          tpu.wait_dma2 semaphore(%arg15 : memref<!tpu.dma_semaphore, #tpu.memory_space<semaphore_mem>>) src(%dma_wait3A_149 : memref<128xi32, #tpu.memory_space<hbm>>) dst(%dma_wait3A_146 : memref<128xi32, #tpu.memory_space<vmem>>)
          %dma_start3A_150 = arith.constant 1 : i32
          %dma_start3A_151 = arith.constant 1 : i32
          %dma_start3A_152 = arith.constant 0 : i32
          %dma_start3A_153 = arith.constant 0 : i32
          %dma_start3A_154 = tpu.memref_slice %arg9[%dma_start3A_151, %dma_start3A_152, %dma_start3A_153] : memref<3x128x128xf32, #tpu.memory_space<vmem>> -> memref<1x128x128xf32, #tpu.memory_space<vmem>>
          %dma_start3A_155 = tpu.memref_squeeze %dma_start3A_154 : memref<1x128x128xf32, #tpu.memory_space<vmem>> -> memref<128x128xf32, #tpu.memory_space<vmem>>
          %dma_start3A_156 = arith.constant 0 : i32
          %dma_start3A_157 = tpu.memref_slice %arg7[%dma_start3A_150, %dma_start3A_156] : memref<3x128xi32, #tpu.memory_space<vmem>> -> memref<1x128xi32, #tpu.memory_space<vmem>>
          %dma_start3A_158 = tpu.memref_squeeze %dma_start3A_157 : memref<1x128xi32, #tpu.memory_space<vmem>> -> memref<128xi32, #tpu.memory_space<vmem>>
          %dma_start3A_159 = arith.constant 0 : i32
          %dma_start3A_160 = arith.constant 0 : i32
          %dma_start3A_161 = tpu.memref_slice %arg2[%dma_start3A_159, %dma_start3A_160] : memref<160000x128xf32, #tpu.memory_space<hbm>> -> memref<160000x128xf32, #tpu.memory_space<hbm>>
          tpu.enqueue_indirect_dma source(%dma_start3A_161 : memref<160000x128xf32, #tpu.memory_space<hbm>>) target(%dma_start3A_155 : memref<128x128xf32, #tpu.memory_space<vmem>>) offsets(%dma_start3A_158 : memref<128xi32, #tpu.memory_space<vmem>>) semaphore(%arg12 : memref<!tpu.dma_semaphore, #tpu.memory_space<semaphore_mem>>)
          %add3A_162 = arith.addi %mul3A_4, %add3A_80 : i32
          %add3A_163 = arith.constant 3 : i32
          %add3A_164 = arith.addi %add3A_162, %add3A_163 : i32
          %dma_wait3A_165 = arith.constant 1 : i32
          %dma_wait3A_166 = arith.constant 0 : i32
          %dma_wait3A_167 = tpu.memref_slice %arg8[%dma_wait3A_165, %dma_wait3A_166] : memref<3x128xi32, #tpu.memory_space<vmem>> -> memref<1x128xi32, #tpu.memory_space<vmem>>
          %dma_wait3A_168 = tpu.memref_squeeze %dma_wait3A_167 : memref<1x128xi32, #tpu.memory_space<vmem>> -> memref<128xi32, #tpu.memory_space<vmem>>
          %dma_wait3A_169 = arith.constant 0 : i32
          %dma_wait3A_170 = tpu.memref_slice %arg4[%add3A_164, %dma_wait3A_169] : memref<2560x128xi32, #tpu.memory_space<hbm>> -> memref<1x128xi32, #tpu.memory_space<hbm>>
          %dma_wait3A_171 = tpu.memref_squeeze %dma_wait3A_170 : memref<1x128xi32, #tpu.memory_space<hbm>> -> memref<128xi32, #tpu.memory_space<hbm>>
          %dma_wait3A_172 = arith.constant 0 : i32
          %dma_wait3A_173 = tpu.memref_slice %arg8[%dma_wait3A_165, %dma_wait3A_172] : memref<3x128xi32, #tpu.memory_space<vmem>> -> memref<1x128xi32, #tpu.memory_space<vmem>>
          %dma_wait3A_174 = tpu.memref_squeeze %dma_wait3A_173 : memref<1x128xi32, #tpu.memory_space<vmem>> -> memref<128xi32, #tpu.memory_space<vmem>>
          %dma_wait3A_175 = arith.constant 0 : i32
          %dma_wait3A_176 = tpu.memref_slice %arg4[%add3A_164, %dma_wait3A_175] : memref<2560x128xi32, #tpu.memory_space<hbm>> -> memref<1x128xi32, #tpu.memory_space<hbm>>
          %dma_wait3A_177 = tpu.memref_squeeze %dma_wait3A_176 : memref<1x128xi32, #tpu.memory_space<hbm>> -> memref<128xi32, #tpu.memory_space<hbm>>
          tpu.wait_dma2 semaphore(%arg18 : memref<!tpu.dma_semaphore, #tpu.memory_space<semaphore_mem>>) src(%dma_wait3A_177 : memref<128xi32, #tpu.memory_space<hbm>>) dst(%dma_wait3A_174 : memref<128xi32, #tpu.memory_space<vmem>>)
        } else {
        }
      } else {
      }
      %mul3A_86 = arith.constant 3 : i32
      %mul3A_87 = arith.muli %scan3A_70, %mul3A_86 : i32
      %add3A_88 = arith.constant 2 : i32
      %add3A_89 = arith.addi %mul3A_87, %add3A_88 : i32
      %lt3A_90 = arith.constant 80 : i32
      %lt3A_91 = arith.cmpi slt, %add3A_89, %lt3A_90 : i32
      %convert_element_type3A_92 = arith.extui %lt3A_91 : i1 to i32
      %cond3A_93 = arith.constant 0 : i32
      %cond3A_94 = arith.cmpi ne, %convert_element_type3A_92, %cond3A_93 : i32
      scf.if %cond3A_94 {
        %dma_wait3A = arith.constant 2 : i32
        %dma_wait3A_95 = arith.constant 2 : i32
        %dma_wait3A_96 = arith.constant 0 : i32
        %dma_wait3A_97 = arith.constant 0 : i32
        %dma_wait3A_98 = tpu.memref_slice %arg9[%dma_wait3A_95, %dma_wait3A_96, %dma_wait3A_97] : memref<3x128x128xf32, #tpu.memory_space<vmem>> -> memref<1x128x128xf32, #tpu.memory_space<vmem>>
        %dma_wait3A_99 = tpu.memref_squeeze %dma_wait3A_98 : memref<1x128x128xf32, #tpu.memory_space<vmem>> -> memref<128x128xf32, #tpu.memory_space<vmem>>
        %dma_wait3A_100 = arith.constant 0 : i32
        %dma_wait3A_101 = tpu.memref_slice %arg7[%dma_wait3A, %dma_wait3A_100] : memref<3x128xi32, #tpu.memory_space<vmem>> -> memref<1x128xi32, #tpu.memory_space<vmem>>
        %dma_wait3A_102 = tpu.memref_squeeze %dma_wait3A_101 : memref<1x128xi32, #tpu.memory_space<vmem>> -> memref<128xi32, #tpu.memory_space<vmem>>
        %dma_wait3A_103 = arith.constant 0 : i32
        %dma_wait3A_104 = arith.constant 0 : i32
        %dma_wait3A_105 = tpu.memref_slice %arg2[%dma_wait3A_103, %dma_wait3A_104] : memref<160000x128xf32, #tpu.memory_space<hbm>> -> memref<160000x128xf32, #tpu.memory_space<hbm>>
        tpu.wait_indirect_dma semaphore(%arg13 : memref<!tpu.dma_semaphore, #tpu.memory_space<semaphore_mem>>) src(%dma_wait3A_105 : memref<160000x128xf32, #tpu.memory_space<hbm>>) dst(%dma_wait3A_99 : memref<128x128xf32, #tpu.memory_space<vmem>>)
        %add3A_106 = arith.constant 3 : i32
        %add3A_107 = arith.addi %add3A_89, %add3A_106 : i32
        %lt3A_108 = arith.constant 80 : i32
        %lt3A_109 = arith.cmpi slt, %add3A_107, %lt3A_108 : i32
        %convert_element_type3A_110 = arith.extui %lt3A_109 : i1 to i32
        %cond3A_111 = arith.constant 0 : i32
        %cond3A_112 = arith.cmpi ne, %convert_element_type3A_110, %cond3A_111 : i32
        scf.if %cond3A_112 {
          %add3A_118 = arith.addi %mul3A_4, %add3A_89 : i32
          %add3A_119 = arith.constant 3 : i32
          %add3A_120 = arith.addi %add3A_118, %add3A_119 : i32
          %dma_start3A_121 = arith.constant 2 : i32
          %dma_start3A_122 = arith.constant 0 : i32
          %dma_start3A_123 = tpu.memref_slice %arg7[%dma_start3A_121, %dma_start3A_122] : memref<3x128xi32, #tpu.memory_space<vmem>> -> memref<1x128xi32, #tpu.memory_space<vmem>>
          %dma_start3A_124 = tpu.memref_squeeze %dma_start3A_123 : memref<1x128xi32, #tpu.memory_space<vmem>> -> memref<128xi32, #tpu.memory_space<vmem>>
          %dma_start3A_125 = arith.constant 0 : i32
          %dma_start3A_126 = tpu.memref_slice %arg3[%add3A_120, %dma_start3A_125] : memref<2560x128xi32, #tpu.memory_space<hbm>> -> memref<1x128xi32, #tpu.memory_space<hbm>>
          %dma_start3A_127 = tpu.memref_squeeze %dma_start3A_126 : memref<1x128xi32, #tpu.memory_space<hbm>> -> memref<128xi32, #tpu.memory_space<hbm>>
          %dma_start3A_128 = arith.constant 0 : i32
          %dma_start3A_129 = tpu.memref_slice %arg7[%dma_start3A_121, %dma_start3A_128] : memref<3x128xi32, #tpu.memory_space<vmem>> -> memref<1x128xi32, #tpu.memory_space<vmem>>
          %dma_start3A_130 = tpu.memref_squeeze %dma_start3A_129 : memref<1x128xi32, #tpu.memory_space<vmem>> -> memref<128xi32, #tpu.memory_space<vmem>>
          %dma_start3A_131 = arith.constant 0 : i32
          %dma_start3A_132 = tpu.memref_slice %arg3[%add3A_120, %dma_start3A_131] : memref<2560x128xi32, #tpu.memory_space<hbm>> -> memref<1x128xi32, #tpu.memory_space<hbm>>
          %dma_start3A_133 = tpu.memref_squeeze %dma_start3A_132 : memref<1x128xi32, #tpu.memory_space<hbm>> -> memref<128xi32, #tpu.memory_space<hbm>>
          tpu.enqueue_dma source(%dma_start3A_133 : memref<128xi32, #tpu.memory_space<hbm>>) target(%dma_start3A_130 : memref<128xi32, #tpu.memory_space<vmem>>) target_semaphore(%arg16 : memref<!tpu.dma_semaphore, #tpu.memory_space<semaphore_mem>>)
        } else {
        }
        %run_scoped3A_113 = arith.constant 2 : i32
        %run_scoped3A_114 = arith.constant 2 : i32
        "tpu.region"() ({
          %run_scoped3A_118 = tpu.sem_alloc : memref<!tpu.dma_semaphore, #tpu.memory_space<semaphore_mem>>
          %dma_start3A_119 = arith.constant 0 : i32
          %dma_start3A_120 = arith.constant 0 : i32
          %dma_start3A_121 = tpu.memref_slice %arg9[%run_scoped3A_113, %dma_start3A_119, %dma_start3A_120] : memref<3x128x128xf32, #tpu.memory_space<vmem>> -> memref<1x128x128xf32, #tpu.memory_space<vmem>>
          %dma_start3A_122 = tpu.memref_squeeze %dma_start3A_121 : memref<1x128x128xf32, #tpu.memory_space<vmem>> -> memref<128x128xf32, #tpu.memory_space<vmem>>
          %dma_start3A_123 = arith.constant 0 : i32
          %dma_start3A_124 = tpu.memref_slice %arg8[%run_scoped3A_114, %dma_start3A_123] : memref<3x128xi32, #tpu.memory_space<vmem>> -> memref<1x128xi32, #tpu.memory_space<vmem>>
          %dma_start3A_125 = tpu.memref_squeeze %dma_start3A_124 : memref<1x128xi32, #tpu.memory_space<vmem>> -> memref<128xi32, #tpu.memory_space<vmem>>
          %dma_start3A_126 = arith.constant 0 : i32
          %dma_start3A_127 = arith.constant 0 : i32
          %dma_start3A_128 = tpu.memref_slice %arg10[%dma_start3A_126, %dma_start3A_127] : memref<10112x128xf32, #tpu.memory_space<vmem_shared>> -> memref<10112x128xf32, #tpu.memory_space<vmem_shared>>
          tpu.enqueue_indirect_dma source(%dma_start3A_122 : memref<128x128xf32, #tpu.memory_space<vmem>>) target(%dma_start3A_128 : memref<10112x128xf32, #tpu.memory_space<vmem_shared>>) offsets(%dma_start3A_125 : memref<128xi32, #tpu.memory_space<vmem>>) semaphore(%run_scoped3A_118 : memref<!tpu.dma_semaphore, #tpu.memory_space<semaphore_mem>>) {add = true}
          %dma_wait3A_129 = arith.constant 0 : i32
          %dma_wait3A_130 = arith.constant 0 : i32
          %dma_wait3A_131 = tpu.memref_slice %arg9[%run_scoped3A_113, %dma_wait3A_129, %dma_wait3A_130] : memref<3x128x128xf32, #tpu.memory_space<vmem>> -> memref<1x128x128xf32, #tpu.memory_space<vmem>>
          %dma_wait3A_132 = tpu.memref_squeeze %dma_wait3A_131 : memref<1x128x128xf32, #tpu.memory_space<vmem>> -> memref<128x128xf32, #tpu.memory_space<vmem>>
          %dma_wait3A_133 = arith.constant 0 : i32
          %dma_wait3A_134 = tpu.memref_slice %arg8[%run_scoped3A_114, %dma_wait3A_133] : memref<3x128xi32, #tpu.memory_space<vmem>> -> memref<1x128xi32, #tpu.memory_space<vmem>>
          %dma_wait3A_135 = tpu.memref_squeeze %dma_wait3A_134 : memref<1x128xi32, #tpu.memory_space<vmem>> -> memref<128xi32, #tpu.memory_space<vmem>>
          %dma_wait3A_136 = arith.constant 0 : i32
          %dma_wait3A_137 = arith.constant 0 : i32
          %dma_wait3A_138 = tpu.memref_slice %arg10[%dma_wait3A_136, %dma_wait3A_137] : memref<10112x128xf32, #tpu.memory_space<vmem_shared>> -> memref<10112x128xf32, #tpu.memory_space<vmem_shared>>
          tpu.wait_indirect_dma semaphore(%run_scoped3A_118 : memref<!tpu.dma_semaphore, #tpu.memory_space<semaphore_mem>>) src(%dma_wait3A_132 : memref<128x128xf32, #tpu.memory_space<vmem>>) dst(%dma_wait3A_138 : memref<10112x128xf32, #tpu.memory_space<vmem_shared>>)
          tpu.yield
        }) : () -> ()
        %convert_element_type3A_115 = arith.extui %lt3A_109 : i1 to i32
        %cond3A_116 = arith.constant 0 : i32
        %cond3A_117 = arith.cmpi ne, %convert_element_type3A_115, %cond3A_116 : i32
        scf.if %cond3A_117 {
          %add3A_118 = arith.addi %mul3A_4, %add3A_89 : i32
          %add3A_119 = arith.constant 3 : i32
          %add3A_120 = arith.addi %add3A_118, %add3A_119 : i32
          %dma_start3A_121 = arith.constant 2 : i32
          %dma_start3A_122 = arith.constant 0 : i32
          %dma_start3A_123 = tpu.memref_slice %arg8[%dma_start3A_121, %dma_start3A_122] : memref<3x128xi32, #tpu.memory_space<vmem>> -> memref<1x128xi32, #tpu.memory_space<vmem>>
          %dma_start3A_124 = tpu.memref_squeeze %dma_start3A_123 : memref<1x128xi32, #tpu.memory_space<vmem>> -> memref<128xi32, #tpu.memory_space<vmem>>
          %dma_start3A_125 = arith.constant 0 : i32
          %dma_start3A_126 = tpu.memref_slice %arg4[%add3A_120, %dma_start3A_125] : memref<2560x128xi32, #tpu.memory_space<hbm>> -> memref<1x128xi32, #tpu.memory_space<hbm>>
          %dma_start3A_127 = tpu.memref_squeeze %dma_start3A_126 : memref<1x128xi32, #tpu.memory_space<hbm>> -> memref<128xi32, #tpu.memory_space<hbm>>
          %dma_start3A_128 = arith.constant 0 : i32
          %dma_start3A_129 = tpu.memref_slice %arg8[%dma_start3A_121, %dma_start3A_128] : memref<3x128xi32, #tpu.memory_space<vmem>> -> memref<1x128xi32, #tpu.memory_space<vmem>>
          %dma_start3A_130 = tpu.memref_squeeze %dma_start3A_129 : memref<1x128xi32, #tpu.memory_space<vmem>> -> memref<128xi32, #tpu.memory_space<vmem>>
          %dma_start3A_131 = arith.constant 0 : i32
          %dma_start3A_132 = tpu.memref_slice %arg4[%add3A_120, %dma_start3A_131] : memref<2560x128xi32, #tpu.memory_space<hbm>> -> memref<1x128xi32, #tpu.memory_space<hbm>>
          %dma_start3A_133 = tpu.memref_squeeze %dma_start3A_132 : memref<1x128xi32, #tpu.memory_space<hbm>> -> memref<128xi32, #tpu.memory_space<hbm>>
          tpu.enqueue_dma source(%dma_start3A_133 : memref<128xi32, #tpu.memory_space<hbm>>) target(%dma_start3A_130 : memref<128xi32, #tpu.memory_space<vmem>>) target_semaphore(%arg19 : memref<!tpu.dma_semaphore, #tpu.memory_space<semaphore_mem>>)
          %add3A_134 = arith.addi %mul3A_4, %add3A_89 : i32
          %add3A_135 = arith.constant 3 : i32
          %add3A_136 = arith.addi %add3A_134, %add3A_135 : i32
          %dma_wait3A_137 = arith.constant 2 : i32
          %dma_wait3A_138 = arith.constant 0 : i32
          %dma_wait3A_139 = tpu.memref_slice %arg7[%dma_wait3A_137, %dma_wait3A_138] : memref<3x128xi32, #tpu.memory_space<vmem>> -> memref<1x128xi32, #tpu.memory_space<vmem>>
          %dma_wait3A_140 = tpu.memref_squeeze %dma_wait3A_139 : memref<1x128xi32, #tpu.memory_space<vmem>> -> memref<128xi32, #tpu.memory_space<vmem>>
          %dma_wait3A_141 = arith.constant 0 : i32
          %dma_wait3A_142 = tpu.memref_slice %arg3[%add3A_136, %dma_wait3A_141] : memref<2560x128xi32, #tpu.memory_space<hbm>> -> memref<1x128xi32, #tpu.memory_space<hbm>>
          %dma_wait3A_143 = tpu.memref_squeeze %dma_wait3A_142 : memref<1x128xi32, #tpu.memory_space<hbm>> -> memref<128xi32, #tpu.memory_space<hbm>>
          %dma_wait3A_144 = arith.constant 0 : i32
          %dma_wait3A_145 = tpu.memref_slice %arg7[%dma_wait3A_137, %dma_wait3A_144] : memref<3x128xi32, #tpu.memory_space<vmem>> -> memref<1x128xi32, #tpu.memory_space<vmem>>
          %dma_wait3A_146 = tpu.memref_squeeze %dma_wait3A_145 : memref<1x128xi32, #tpu.memory_space<vmem>> -> memref<128xi32, #tpu.memory_space<vmem>>
          %dma_wait3A_147 = arith.constant 0 : i32
          %dma_wait3A_148 = tpu.memref_slice %arg3[%add3A_136, %dma_wait3A_147] : memref<2560x128xi32, #tpu.memory_space<hbm>> -> memref<1x128xi32, #tpu.memory_space<hbm>>
          %dma_wait3A_149 = tpu.memref_squeeze %dma_wait3A_148 : memref<1x128xi32, #tpu.memory_space<hbm>> -> memref<128xi32, #tpu.memory_space<hbm>>
          tpu.wait_dma2 semaphore(%arg16 : memref<!tpu.dma_semaphore, #tpu.memory_space<semaphore_mem>>) src(%dma_wait3A_149 : memref<128xi32, #tpu.memory_space<hbm>>) dst(%dma_wait3A_146 : memref<128xi32, #tpu.memory_space<vmem>>)
          %dma_start3A_150 = arith.constant 2 : i32
          %dma_start3A_151 = arith.constant 2 : i32
          %dma_start3A_152 = arith.constant 0 : i32
          %dma_start3A_153 = arith.constant 0 : i32
          %dma_start3A_154 = tpu.memref_slice %arg9[%dma_start3A_151, %dma_start3A_152, %dma_start3A_153] : memref<3x128x128xf32, #tpu.memory_space<vmem>> -> memref<1x128x128xf32, #tpu.memory_space<vmem>>
          %dma_start3A_155 = tpu.memref_squeeze %dma_start3A_154 : memref<1x128x128xf32, #tpu.memory_space<vmem>> -> memref<128x128xf32, #tpu.memory_space<vmem>>
          %dma_start3A_156 = arith.constant 0 : i32
          %dma_start3A_157 = tpu.memref_slice %arg7[%dma_start3A_150, %dma_start3A_156] : memref<3x128xi32, #tpu.memory_space<vmem>> -> memref<1x128xi32, #tpu.memory_space<vmem>>
          %dma_start3A_158 = tpu.memref_squeeze %dma_start3A_157 : memref<1x128xi32, #tpu.memory_space<vmem>> -> memref<128xi32, #tpu.memory_space<vmem>>
          %dma_start3A_159 = arith.constant 0 : i32
          %dma_start3A_160 = arith.constant 0 : i32
          %dma_start3A_161 = tpu.memref_slice %arg2[%dma_start3A_159, %dma_start3A_160] : memref<160000x128xf32, #tpu.memory_space<hbm>> -> memref<160000x128xf32, #tpu.memory_space<hbm>>
          tpu.enqueue_indirect_dma source(%dma_start3A_161 : memref<160000x128xf32, #tpu.memory_space<hbm>>) target(%dma_start3A_155 : memref<128x128xf32, #tpu.memory_space<vmem>>) offsets(%dma_start3A_158 : memref<128xi32, #tpu.memory_space<vmem>>) semaphore(%arg13 : memref<!tpu.dma_semaphore, #tpu.memory_space<semaphore_mem>>)
          %add3A_162 = arith.addi %mul3A_4, %add3A_89 : i32
          %add3A_163 = arith.constant 3 : i32
          %add3A_164 = arith.addi %add3A_162, %add3A_163 : i32
          %dma_wait3A_165 = arith.constant 2 : i32
          %dma_wait3A_166 = arith.constant 0 : i32
          %dma_wait3A_167 = tpu.memref_slice %arg8[%dma_wait3A_165, %dma_wait3A_166] : memref<3x128xi32, #tpu.memory_space<vmem>> -> memref<1x128xi32, #tpu.memory_space<vmem>>
          %dma_wait3A_168 = tpu.memref_squeeze %dma_wait3A_167 : memref<1x128xi32, #tpu.memory_space<vmem>> -> memref<128xi32, #tpu.memory_space<vmem>>
          %dma_wait3A_169 = arith.constant 0 : i32
          %dma_wait3A_170 = tpu.memref_slice %arg4[%add3A_164, %dma_wait3A_169] : memref<2560x128xi32, #tpu.memory_space<hbm>> -> memref<1x128xi32, #tpu.memory_space<hbm>>
          %dma_wait3A_171 = tpu.memref_squeeze %dma_wait3A_170 : memref<1x128xi32, #tpu.memory_space<hbm>> -> memref<128xi32, #tpu.memory_space<hbm>>
          %dma_wait3A_172 = arith.constant 0 : i32
          %dma_wait3A_173 = tpu.memref_slice %arg8[%dma_wait3A_165, %dma_wait3A_172] : memref<3x128xi32, #tpu.memory_space<vmem>> -> memref<1x128xi32, #tpu.memory_space<vmem>>
          %dma_wait3A_174 = tpu.memref_squeeze %dma_wait3A_173 : memref<1x128xi32, #tpu.memory_space<vmem>> -> memref<128xi32, #tpu.memory_space<vmem>>
          %dma_wait3A_175 = arith.constant 0 : i32
          %dma_wait3A_176 = tpu.memref_slice %arg4[%add3A_164, %dma_wait3A_175] : memref<2560x128xi32, #tpu.memory_space<hbm>> -> memref<1x128xi32, #tpu.memory_space<hbm>>
          %dma_wait3A_177 = tpu.memref_squeeze %dma_wait3A_176 : memref<1x128xi32, #tpu.memory_space<hbm>> -> memref<128xi32, #tpu.memory_space<hbm>>
          tpu.wait_dma2 semaphore(%arg19 : memref<!tpu.dma_semaphore, #tpu.memory_space<semaphore_mem>>) src(%dma_wait3A_177 : memref<128xi32, #tpu.memory_space<hbm>>) dst(%dma_wait3A_174 : memref<128xi32, #tpu.memory_space<vmem>>)
        } else {
        }
      } else {
      }
    }
    %scan3A_61 = arith.constant 27 : i32
    %barrier3A_62 = arith.constant 0 : index
    tpu.barrier barrier_id(%barrier3A_62)
    %mul3A_63 = arith.constant 10112 : i32
    %mul3A_64 = arith.muli %arg0, %mul3A_63 : i32
    %mul3A_65 = arith.constant 632 : i32
    %mul3A_66 = arith.muli %arg1, %mul3A_65 : i32
    %add3A_67 = arith.addi %mul3A_64, %mul3A_66 : i32
    %mul3A_68 = arith.constant 632 : i32
    %mul3A_69 = arith.muli %arg1, %mul3A_68 : i32
    "tpu.region"() ({
      %run_scoped3A_70 = tpu.sem_alloc : memref<!tpu.dma_semaphore, #tpu.memory_space<semaphore_mem>>
      %dma_start3A_71 = arith.constant 0 : i32
      %dma_start3A_72 = tpu.memref_slice %arg6[%add3A_67, %dma_start3A_71] : memref<20224x128xf32, #tpu.memory_space<hbm>> -> memref<632x128xf32, #tpu.memory_space<hbm>>
      %dma_start3A_73 = arith.constant 0 : i32
      %dma_start3A_74 = tpu.memref_slice %arg10[%mul3A_69, %dma_start3A_73] : memref<10112x128xf32, #tpu.memory_space<vmem_shared>> -> memref<632x128xf32, #tpu.memory_space<vmem_shared>>
      tpu.enqueue_dma source(%dma_start3A_74 : memref<632x128xf32, #tpu.memory_space<vmem_shared>>) target(%dma_start3A_72 : memref<632x128xf32, #tpu.memory_space<hbm>>) target_semaphore(%run_scoped3A_70 : memref<!tpu.dma_semaphore, #tpu.memory_space<semaphore_mem>>)
      %dma_wait3A = arith.constant 0 : i32
      %dma_wait3A_75 = tpu.memref_slice %arg6[%add3A_67, %dma_wait3A] : memref<20224x128xf32, #tpu.memory_space<hbm>> -> memref<632x128xf32, #tpu.memory_space<hbm>>
      %dma_wait3A_76 = arith.constant 0 : i32
      %dma_wait3A_77 = tpu.memref_slice %arg10[%mul3A_69, %dma_wait3A_76] : memref<10112x128xf32, #tpu.memory_space<vmem_shared>> -> memref<632x128xf32, #tpu.memory_space<vmem_shared>>
      tpu.wait_dma2 semaphore(%run_scoped3A_70 : memref<!tpu.dma_semaphore, #tpu.memory_space<semaphore_mem>>) src(%dma_wait3A_77 : memref<632x128xf32, #tpu.memory_space<vmem_shared>>) dst(%dma_wait3A_75 : memref<632x128xf32, #tpu.memory_space<hbm>>)
      tpu.yield
    }) : () -> ()
    return
  }
}

module attributes {stable_mosaic.version = 14 : i64} {
  func.func @_prep_body(%arg0: i32, %arg1: memref<9000x128xf32, #tpu.memory_space<vmem>>, %arg2: memref<1000x128xf32, #tpu.memory_space<vmem>>, %arg3: memref<1x8x16x16xf32, #tpu.memory_space<vmem>>, %arg4: memref<160x128xi32, #tpu.memory_space<vmem>>, %arg5: memref<160x128xi32, #tpu.memory_space<vmem>>, %arg6: memref<160x128xi32, #tpu.memory_space<vmem>>, %arg7: memref<1x10000x128xf32, #tpu.memory_space<vmem>>, %arg8: memref<160x128xi32, #tpu.memory_space<vmem>>, %arg9: memref<160x128xi32, #tpu.memory_space<vmem>>, %arg10: memref<128x128xf32, #tpu.memory_space<vmem>>) attributes {dimension_semantics = [#tpu.dimension_semantics<arbitrary>], iteration_bounds = array<i64: 16>, scalar_prefetch = 0 : i64, scratch_operands = 1 : i64, tpu.core_type = #tpu.core_type<tc>, window_params = [{pipeline_mode = #tpu.pipeline_mode<synchronous>, transform_indices = @transform_0, window_bounds = array<i64: 9000, 128>}, {pipeline_mode = #tpu.pipeline_mode<synchronous>, transform_indices = @transform_1, window_bounds = array<i64: 1000, 128>}, {transform_indices = @transform_2, window_bounds = array<i64: 1, 8, 16, 16>}, {transform_indices = @transform_3, window_bounds = array<i64: 160, 128>}, {transform_indices = @transform_4, window_bounds = array<i64: 160, 128>}, {transform_indices = @transform_5, window_bounds = array<i64: 160, 128>}, {transform_indices = @transform_6, window_bounds = array<i64: 1, 10000, 128>}, {transform_indices = @transform_7, window_bounds = array<i64: 160, 128>}, {transform_indices = @transform_8, window_bounds = array<i64: 160, 128>}]} {
    %broadcast_in_dim3A = arith.constant 0.000000e+00 : f32
    %broadcast_in_dim3A_0 = vector.broadcast %broadcast_in_dim3A : f32 to vector<128x128xf32>
    %swap3A = arith.constant 0 : index
    %swap3A_1 = arith.constant 0 : index
    %swap3A_2 = vector.load %arg10[%swap3A, %swap3A_1] : memref<128x128xf32, #tpu.memory_space<vmem>>, vector<128x128xf32>
    tpu.vector_store %arg10[%swap3A, %swap3A_1], %broadcast_in_dim3A_0 {strides = array<i32>} : memref<128x128xf32, #tpu.memory_space<vmem>>, vector<128x128xf32>,
    %get3A = arith.constant 0 : index
    %get3A_3 = arith.constant 0 : index
    %get3A_4 = arith.constant 0 : index
    %get3A_5 = arith.constant 0 : index
    %get3A_6 = vector.load %arg3[%get3A, %get3A_3, %get3A_4, %get3A_5] : memref<1x8x16x16xf32, #tpu.memory_space<vmem>>, vector<1x1x16x16xf32>
    %get3A_7 = vector.shape_cast %get3A_6 : vector<1x1x16x16xf32> to vector<16x16xf32>
    %swap3A_8 = arith.constant 0 : index
    %swap3A_9 = arith.constant 0 : index
    %swap3A_10 = vector.load %arg10[%swap3A_8, %swap3A_9] : memref<128x128xf32, #tpu.memory_space<vmem>>, vector<16x16xf32>
    tpu.vector_store %arg10[%swap3A_8, %swap3A_9], %get3A_7 {strides = array<i32>} : memref<128x128xf32, #tpu.memory_space<vmem>>, vector<16x16xf32>,
    %get3A_11 = arith.constant 0 : index
    %get3A_12 = arith.constant 1 : index
    %get3A_13 = arith.constant 0 : index
    %get3A_14 = arith.constant 0 : index
    %get3A_15 = vector.load %arg3[%get3A_11, %get3A_12, %get3A_13, %get3A_14] : memref<1x8x16x16xf32, #tpu.memory_space<vmem>>, vector<1x1x16x16xf32>
    %get3A_16 = vector.shape_cast %get3A_15 : vector<1x1x16x16xf32> to vector<16x16xf32>
    %swap3A_17 = arith.constant 16 : index
    %swap3A_18 = arith.constant 16 : index
    %swap3A_19 = vector.load %arg10[%swap3A_17, %swap3A_18] : memref<128x128xf32, #tpu.memory_space<vmem>>, vector<16x16xf32>
    tpu.vector_store %arg10[%swap3A_17, %swap3A_18], %get3A_16 {strides = array<i32>} : memref<128x128xf32, #tpu.memory_space<vmem>>, vector<16x16xf32>,
    %get3A_20 = arith.constant 0 : index
    %get3A_21 = arith.constant 2 : index
    %get3A_22 = arith.constant 0 : index
    %get3A_23 = arith.constant 0 : index
    %get3A_24 = vector.load %arg3[%get3A_20, %get3A_21, %get3A_22, %get3A_23] : memref<1x8x16x16xf32, #tpu.memory_space<vmem>>, vector<1x1x16x16xf32>
    %get3A_25 = vector.shape_cast %get3A_24 : vector<1x1x16x16xf32> to vector<16x16xf32>
    %swap3A_26 = arith.constant 32 : index
    %swap3A_27 = arith.constant 32 : index
    %swap3A_28 = vector.load %arg10[%swap3A_26, %swap3A_27] : memref<128x128xf32, #tpu.memory_space<vmem>>, vector<16x16xf32>
    tpu.vector_store %arg10[%swap3A_26, %swap3A_27], %get3A_25 {strides = array<i32>} : memref<128x128xf32, #tpu.memory_space<vmem>>, vector<16x16xf32>,
    %get3A_29 = arith.constant 0 : index
    %get3A_30 = arith.constant 3 : index
    %get3A_31 = arith.constant 0 : index
    %get3A_32 = arith.constant 0 : index
    %get3A_33 = vector.load %arg3[%get3A_29, %get3A_30, %get3A_31, %get3A_32] : memref<1x8x16x16xf32, #tpu.memory_space<vmem>>, vector<1x1x16x16xf32>
    %get3A_34 = vector.shape_cast %get3A_33 : vector<1x1x16x16xf32> to vector<16x16xf32>
    %swap3A_35 = arith.constant 48 : index
    %swap3A_36 = arith.constant 48 : index
    %swap3A_37 = vector.load %arg10[%swap3A_35, %swap3A_36] : memref<128x128xf32, #tpu.memory_space<vmem>>, vector<16x16xf32>
    tpu.vector_store %arg10[%swap3A_35, %swap3A_36], %get3A_34 {strides = array<i32>} : memref<128x128xf32, #tpu.memory_space<vmem>>, vector<16x16xf32>,
    %get3A_38 = arith.constant 0 : index
    %get3A_39 = arith.constant 4 : index
    %get3A_40 = arith.constant 0 : index
    %get3A_41 = arith.constant 0 : index
    %get3A_42 = vector.load %arg3[%get3A_38, %get3A_39, %get3A_40, %get3A_41] : memref<1x8x16x16xf32, #tpu.memory_space<vmem>>, vector<1x1x16x16xf32>
    %get3A_43 = vector.shape_cast %get3A_42 : vector<1x1x16x16xf32> to vector<16x16xf32>
    %swap3A_44 = arith.constant 64 : index
    %swap3A_45 = arith.constant 64 : index
    %swap3A_46 = vector.load %arg10[%swap3A_44, %swap3A_45] : memref<128x128xf32, #tpu.memory_space<vmem>>, vector<16x16xf32>
    tpu.vector_store %arg10[%swap3A_44, %swap3A_45], %get3A_43 {strides = array<i32>} : memref<128x128xf32, #tpu.memory_space<vmem>>, vector<16x16xf32>,
    %get3A_47 = arith.constant 0 : index
    %get3A_48 = arith.constant 5 : index
    %get3A_49 = arith.constant 0 : index
    %get3A_50 = arith.constant 0 : index
    %get3A_51 = vector.load %arg3[%get3A_47, %get3A_48, %get3A_49, %get3A_50] : memref<1x8x16x16xf32, #tpu.memory_space<vmem>>, vector<1x1x16x16xf32>
    %get3A_52 = vector.shape_cast %get3A_51 : vector<1x1x16x16xf32> to vector<16x16xf32>
    %swap3A_53 = arith.constant 80 : index
    %swap3A_54 = arith.constant 80 : index
    %swap3A_55 = vector.load %arg10[%swap3A_53, %swap3A_54] : memref<128x128xf32, #tpu.memory_space<vmem>>, vector<16x16xf32>
    tpu.vector_store %arg10[%swap3A_53, %swap3A_54], %get3A_52 {strides = array<i32>} : memref<128x128xf32, #tpu.memory_space<vmem>>, vector<16x16xf32>,
    %get3A_56 = arith.constant 0 : index
    %get3A_57 = arith.constant 6 : index
    %get3A_58 = arith.constant 0 : index
    %get3A_59 = arith.constant 0 : index
    %get3A_60 = vector.load %arg3[%get3A_56, %get3A_57, %get3A_58, %get3A_59] : memref<1x8x16x16xf32, #tpu.memory_space<vmem>>, vector<1x1x16x16xf32>
    %get3A_61 = vector.shape_cast %get3A_60 : vector<1x1x16x16xf32> to vector<16x16xf32>
    %swap3A_62 = arith.constant 96 : index
    %swap3A_63 = arith.constant 96 : index
    %swap3A_64 = vector.load %arg10[%swap3A_62, %swap3A_63] : memref<128x128xf32, #tpu.memory_space<vmem>>, vector<16x16xf32>
    tpu.vector_store %arg10[%swap3A_62, %swap3A_63], %get3A_61 {strides = array<i32>} : memref<128x128xf32, #tpu.memory_space<vmem>>, vector<16x16xf32>,
    %get3A_65 = arith.constant 0 : index
    %get3A_66 = arith.constant 7 : index
    %get3A_67 = arith.constant 0 : index
    %get3A_68 = arith.constant 0 : index
    %get3A_69 = vector.load %arg3[%get3A_65, %get3A_66, %get3A_67, %get3A_68] : memref<1x8x16x16xf32, #tpu.memory_space<vmem>>, vector<1x1x16x16xf32>
    %get3A_70 = vector.shape_cast %get3A_69 : vector<1x1x16x16xf32> to vector<16x16xf32>
    %swap3A_71 = arith.constant 112 : index
    %swap3A_72 = arith.constant 112 : index
    %swap3A_73 = vector.load %arg10[%swap3A_71, %swap3A_72] : memref<128x128xf32, #tpu.memory_space<vmem>>, vector<16x16xf32>
    tpu.vector_store %arg10[%swap3A_71, %swap3A_72], %get3A_70 {strides = array<i32>} : memref<128x128xf32, #tpu.memory_space<vmem>>, vector<16x16xf32>,
    %get3A_74 = arith.constant 0 : index
    %get3A_75 = arith.constant 0 : index
    %get3A_76 = vector.load %arg10[%get3A_74, %get3A_75] : memref<128x128xf32, #tpu.memory_space<vmem>>, vector<128x128xf32>
    %get3A_77 = arith.constant 0 : index
    %get3A_78 = arith.constant 0 : index
    %get3A_79 = vector.load %arg1[%get3A_77, %get3A_78] : memref<9000x128xf32, #tpu.memory_space<vmem>>, vector<9000x128xf32>
    %dot_general3A = arith.constant dense<0.000000e+00> : vector<9000x128xf32>
    %dot_general3A_80 = tpu.matmul %get3A_79, %get3A_76, %dot_general3A {dimension_numbers = #tpu.dot_dimension_numbers<[1], [0], [0], [1], [0, 0, 1, 1], [], []>, transpose_lhs_hint = false} : vector<9000x128xf32>, vector<128x128xf32>, vector<9000x128xf32> -> vector<9000x128xf32>
    %swap3A_81 = arith.constant 0 : index
    %swap3A_82 = arith.constant 0 : index
    %swap3A_83 = arith.constant 0 : index
    %swap3A_84 = vector.load %arg7[%swap3A_81, %swap3A_82, %swap3A_83] : memref<1x10000x128xf32, #tpu.memory_space<vmem>>, vector<1x9000x128xf32>
    %swap3A_85 = vector.shape_cast %swap3A_84 : vector<1x9000x128xf32> to vector<9000x128xf32>
    %swap3A_86 = vector.shape_cast %dot_general3A_80 : vector<9000x128xf32> to vector<1x9000x128xf32>
    tpu.vector_store %arg7[%swap3A_81, %swap3A_82, %swap3A_83], %swap3A_86 {strides = array<i32>} : memref<1x10000x128xf32, #tpu.memory_space<vmem>>, vector<1x9000x128xf32>,
    %get3A_87 = arith.constant 0 : index
    %get3A_88 = arith.constant 0 : index
    %get3A_89 = vector.load %arg2[%get3A_87, %get3A_88] : memref<1000x128xf32, #tpu.memory_space<vmem>>, vector<1000x128xf32>
    %dot_general3A_90 = arith.constant dense<0.000000e+00> : vector<1000x128xf32>
    %dot_general3A_91 = tpu.matmul %get3A_89, %get3A_76, %dot_general3A_90 {dimension_numbers = #tpu.dot_dimension_numbers<[1], [0], [0], [1], [0, 0, 1, 1], [], []>, transpose_lhs_hint = false} : vector<1000x128xf32>, vector<128x128xf32>, vector<1000x128xf32> -> vector<1000x128xf32>
    %swap3A_92 = arith.constant 0 : index
    %swap3A_93 = arith.constant 9000 : index
    %swap3A_94 = arith.constant 0 : index
    %swap3A_95 = vector.load %arg7[%swap3A_92, %swap3A_93, %swap3A_94] : memref<1x10000x128xf32, #tpu.memory_space<vmem>>, vector<1x1000x128xf32>
    %swap3A_96 = vector.shape_cast %swap3A_95 : vector<1x1000x128xf32> to vector<1000x128xf32>
    %swap3A_97 = vector.shape_cast %dot_general3A_91 : vector<1000x128xf32> to vector<1x1000x128xf32>
    tpu.vector_store %arg7[%swap3A_92, %swap3A_93, %swap3A_94], %swap3A_97 {strides = array<i32>} : memref<1x10000x128xf32, #tpu.memory_space<vmem>>, vector<1x1000x128xf32>,
    %iota3A = tpu.iota {dimensions = array<i32: 0>} : vector<160x128xi32>
    %mul3A = arith.constant 160 : i32
    %mul3A_98 = arith.muli %arg0, %mul3A : i32
    %add3A = vector.broadcast %mul3A_98 : i32 to vector<160x128xi32>
    %add3A_99 = arith.addi %iota3A, %add3A : vector<160x128xi32>
    %mul3A_100 = arith.constant 128 : i32
    %mul3A_101 = vector.broadcast %mul3A_100 : i32 to vector<160x128xi32>
    %mul3A_102 = arith.muli %add3A_99, %mul3A_101 : vector<160x128xi32>
    %iota3A_103 = tpu.iota {dimensions = array<i32: 1>} : vector<160x128xi32>
    %add3A_104 = arith.addi %mul3A_102, %iota3A_103 : vector<160x128xi32>
    %lt3A = arith.constant 320000 : i32
    %lt3A_105 = vector.broadcast %lt3A : i32 to vector<160x128xi32>
    %lt3A_106 = arith.cmpi slt, %add3A_104, %lt3A_105 : vector<160x128xi32>
    %sub3A = arith.constant 320000 : i32
    %sub3A_107 = vector.broadcast %sub3A : i32 to vector<160x128xi32>
    %sub3A_108 = arith.subi %add3A_104, %sub3A_107 : vector<160x128xi32>
    %max3A = arith.constant 0 : i32
    %max3A_109 = vector.broadcast %max3A : i32 to vector<160x128xi32>
    %max3A_110 = arith.maxsi %sub3A_108, %max3A_109 : vector<160x128xi32>
    %get3A_111 = arith.constant 0 : index
    %get3A_112 = arith.constant 0 : index
    %get3A_113 = vector.load %arg4[%get3A_111, %get3A_112] : memref<160x128xi32, #tpu.memory_space<vmem>>, vector<160x128xi32>
    %mul3A_114 = arith.constant 10000 : i32
    %mul3A_115 = vector.broadcast %mul3A_114 : i32 to vector<160x128xi32>
    %mul3A_116 = arith.muli %get3A_113, %mul3A_115 : vector<160x128xi32>
    %get3A_117 = arith.constant 0 : index
    %get3A_118 = arith.constant 0 : index
    %get3A_119 = vector.load %arg5[%get3A_117, %get3A_118] : memref<160x128xi32, #tpu.memory_space<vmem>>, vector<160x128xi32>
    %add3A_120 = arith.addi %mul3A_116, %get3A_119 : vector<160x128xi32>
    %jit3A = arith.constant 10000 : i32
    %eq3A = arith.constant 0 : i32
    %eq3A_121 = arith.cmpi eq, %jit3A, %eq3A : i32
    %jit3A_122 = arith.constant 1 : i32
    %select_n3A = arith.select %eq3A_121, %jit3A_122, %jit3A : i32
    %rem3A = vector.broadcast %select_n3A : i32 to vector<160x128xi32>
    %rem3A_123 = arith.remsi %max3A_110, %rem3A : vector<160x128xi32>
    %ne3A = arith.constant 0 : i32
    %ne3A_124 = vector.broadcast %ne3A : i32 to vector<160x128xi32>
    %ne3A_125 = arith.cmpi ne, %rem3A_123, %ne3A_124 : vector<160x128xi32>
    %lt3A_126 = arith.constant 0 : i32
    %lt3A_127 = vector.broadcast %lt3A_126 : i32 to vector<160x128xi32>
    %lt3A_128 = arith.cmpi slt, %rem3A_123, %lt3A_127 : vector<160x128xi32>
    %lt3A_129 = arith.constant 0 : i32
    %lt3A_130 = arith.cmpi slt, %select_n3A, %lt3A_129 : i32
    %ne3A_131 = vector.broadcast %lt3A_130 : i1 to vector<160x128xi1>
    %ne3A_132 = vector.broadcast %ne3A_131 : vector<160x128xi1> to vector<160x128xi1>
    %ne3A_133 = arith.xori %lt3A_128, %ne3A_132 : vector<160x128xi1>
    %and3A = arith.andi %ne3A_133, %ne3A_125 : vector<160x128xi1>
    %add3A_134 = vector.broadcast %select_n3A : i32 to vector<160x128xi32>
    %add3A_135 = arith.addi %rem3A_123, %add3A_134 : vector<160x128xi32>
    %select_n3A_136 = arith.select %and3A, %add3A_135, %rem3A_123 : vector<160x128xi1>, vector<160x128xi32>
    %select_n3A_137 = arith.select %lt3A_106, %add3A_120, %select_n3A_136 : vector<160x128xi1>, vector<160x128xi32>
    %swap3A_138 = arith.constant 0 : index
    %swap3A_139 = arith.constant 0 : index
    %swap3A_140 = vector.load %arg8[%swap3A_138, %swap3A_139] : memref<160x128xi32, #tpu.memory_space<vmem>>, vector<160x128xi32>
    tpu.vector_store %arg8[%swap3A_138, %swap3A_139], %select_n3A_137 {strides = array<i32>} : memref<160x128xi32, #tpu.memory_space<vmem>>, vector<160x128xi32>,
    %get3A_141 = arith.constant 0 : index
    %get3A_142 = arith.constant 0 : index
    %get3A_143 = vector.load %arg6[%get3A_141, %get3A_142] : memref<160x128xi32, #tpu.memory_space<vmem>>, vector<160x128xi32>
    %jit3A_144 = arith.constant 112 : i32
    %eq3A_145 = arith.constant 0 : i32
    %eq3A_146 = arith.cmpi eq, %jit3A_144, %eq3A_145 : i32
    %jit3A_147 = arith.constant 1 : i32
    %select_n3A_148 = arith.select %eq3A_146, %jit3A_147, %jit3A_144 : i32
    %rem3A_149 = vector.broadcast %select_n3A_148 : i32 to vector<160x128xi32>
    %rem3A_150 = arith.remsi %max3A_110, %rem3A_149 : vector<160x128xi32>
    %ne3A_151 = arith.constant 0 : i32
    %ne3A_152 = vector.broadcast %ne3A_151 : i32 to vector<160x128xi32>
    %ne3A_153 = arith.cmpi ne, %rem3A_150, %ne3A_152 : vector<160x128xi32>
    %lt3A_154 = arith.constant 0 : i32
    %lt3A_155 = vector.broadcast %lt3A_154 : i32 to vector<160x128xi32>
    %lt3A_156 = arith.cmpi slt, %rem3A_150, %lt3A_155 : vector<160x128xi32>
    %lt3A_157 = arith.constant 0 : i32
    %lt3A_158 = arith.cmpi slt, %select_n3A_148, %lt3A_157 : i32
    %ne3A_159 = vector.broadcast %lt3A_158 : i1 to vector<160x128xi1>
    %ne3A_160 = vector.broadcast %ne3A_159 : vector<160x128xi1> to vector<160x128xi1>
    %ne3A_161 = arith.xori %lt3A_156, %ne3A_160 : vector<160x128xi1>
    %and3A_162 = arith.andi %ne3A_161, %ne3A_153 : vector<160x128xi1>
    %add3A_163 = vector.broadcast %select_n3A_148 : i32 to vector<160x128xi32>
    %add3A_164 = arith.addi %rem3A_150, %add3A_163 : vector<160x128xi32>
    %select_n3A_165 = arith.select %and3A_162, %add3A_164, %rem3A_150 : vector<160x128xi1>, vector<160x128xi32>
    %add3A_166 = arith.constant 10000 : i32
    %add3A_167 = vector.broadcast %add3A_166 : i32 to vector<160x128xi32>
    %add3A_168 = arith.addi %add3A_167, %select_n3A_165 : vector<160x128xi32>
    %select_n3A_169 = arith.select %lt3A_106, %get3A_143, %add3A_168 : vector<160x128xi1>, vector<160x128xi32>
    %swap3A_170 = arith.constant 0 : index
    %swap3A_171 = arith.constant 0 : index
    %swap3A_172 = vector.load %arg9[%swap3A_170, %swap3A_171] : memref<160x128xi32, #tpu.memory_space<vmem>>, vector<160x128xi32>
    tpu.vector_store %arg9[%swap3A_170, %swap3A_171], %select_n3A_169 {strides = array<i32>} : memref<160x128xi32, #tpu.memory_space<vmem>>, vector<160x128xi32>,
    return
  }
  func.func @transform_0(%arg0: i32) -> (i32, i32) {
    %c0_i32 = arith.constant 0 : i32
    %c0_i32_0 = arith.constant 0 : i32
    %c0_i32_1 = arith.constant 0 : i32
    return %c0_i32, %c0_i32_0 : i32, i32
  }
  func.func @transform_1(%arg0: i32) -> (i32, i32) {
    %c0_i32 = arith.constant 0 : i32
    %c0_i32_0 = arith.constant 0 : i32
    %c0_i32_1 = arith.constant 0 : i32
    return %c0_i32, %c0_i32_0 : i32, i32
  }
  func.func @transform_2(%arg0: i32) -> (i32, i32, i32, i32) {
    %c0_i32 = arith.constant 0 : i32
    %c0_i32_0 = arith.constant 0 : i32
    %c0_i32_1 = arith.constant 0 : i32
    %c0_i32_2 = arith.constant 0 : i32
    return %arg0, %c0_i32, %c0_i32_0, %c0_i32_1 : i32, i32, i32, i32
  }
  func.func @transform_3(%arg0: i32) -> (i32, i32) {
    %c0_i32 = arith.constant 0 : i32
    %c0_i32_0 = arith.constant 0 : i32
    return %arg0, %c0_i32 : i32, i32
  }
  func.func @transform_4(%arg0: i32) -> (i32, i32) {
    %c0_i32 = arith.constant 0 : i32
    %c0_i32_0 = arith.constant 0 : i32
    return %arg0, %c0_i32 : i32, i32
  }
  func.func @transform_5(%arg0: i32) -> (i32, i32) {
    %c0_i32 = arith.constant 0 : i32
    %c0_i32_0 = arith.constant 0 : i32
    return %arg0, %c0_i32 : i32, i32
  }
  func.func @transform_6(%arg0: i32) -> (i32, i32, i32) {
    %c0_i32 = arith.constant 0 : i32
    %c0_i32_0 = arith.constant 0 : i32
    %c0_i32_1 = arith.constant 0 : i32
    return %arg0, %c0_i32, %c0_i32_0 : i32, i32, i32
  }
  func.func @transform_7(%arg0: i32) -> (i32, i32) {
    %c0_i32 = arith.constant 0 : i32
    %c0_i32_0 = arith.constant 0 : i32
    return %arg0, %c0_i32 : i32, i32
  }
  func.func @transform_8(%arg0: i32) -> (i32, i32) {
    %c0_i32 = arith.constant 0 : i32
    %c0_i32_0 = arith.constant 0 : i32
    return %arg0, %c0_i32 : i32, i32
  }
}

module attributes {stable_mosaic.version = 14 : i64} {
  func.func @_final_body(%arg0: i32, %arg1: memref<2x3000x128xf32, #tpu.memory_space<vmem>>, %arg2: memref<3000x1xf32, #tpu.memory_space<vmem>>, %arg3: memref<3000x128xf32, #tpu.memory_space<vmem>>) attributes {dimension_semantics = [#tpu.dimension_semantics<arbitrary>], iteration_bounds = array<i64: 3>, scalar_prefetch = 0 : i64, scratch_operands = 0 : i64, tpu.core_type = #tpu.core_type<tc>, window_params = [{transform_indices = @transform_0, window_bounds = array<i64: 2, 3000, 128>}, {transform_indices = @transform_1, window_bounds = array<i64: 3000, 1>}, {transform_indices = @transform_2, window_bounds = array<i64: 3000, 128>}]} {
    %get3A = arith.constant 0 : index
    %get3A_0 = arith.constant 0 : index
    %get3A_1 = arith.constant 0 : index
    %get3A_2 = vector.load %arg1[%get3A, %get3A_0, %get3A_1] : memref<2x3000x128xf32, #tpu.memory_space<vmem>>, vector<1x3000x128xf32>
    %get3A_3 = vector.shape_cast %get3A_2 : vector<1x3000x128xf32> to vector<3000x128xf32>
    %get3A_4 = arith.constant 1 : index
    %get3A_5 = arith.constant 0 : index
    %get3A_6 = arith.constant 0 : index
    %get3A_7 = vector.load %arg1[%get3A_4, %get3A_5, %get3A_6] : memref<2x3000x128xf32, #tpu.memory_space<vmem>>, vector<1x3000x128xf32>
    %get3A_8 = vector.shape_cast %get3A_7 : vector<1x3000x128xf32> to vector<3000x128xf32>
    %add3A = arith.addf %get3A_3, %get3A_8 : vector<3000x128xf32>
    %get3A_9 = arith.constant 0 : index
    %get3A_10 = arith.constant 0 : index
    %get3A_11 = vector.load %arg2[%get3A_9, %get3A_10] : memref<3000x1xf32, #tpu.memory_space<vmem>>, vector<3000x1xf32>
    %mul3A = vector.broadcast %get3A_11 : vector<3000x1xf32> to vector<3000x128xf32>
    %mul3A_12 = arith.mulf %add3A, %mul3A : vector<3000x128xf32>
    %ge3A = arith.constant 0.000000e+00 : f32
    %ge3A_13 = vector.broadcast %ge3A : f32 to vector<3000x128xf32>
    %ge3A_14 = arith.cmpf oge, %mul3A_12, %ge3A_13 : vector<3000x128xf32>
    %mul3A_15 = arith.constant 0.229166672 : f32
    %mul3A_16 = vector.broadcast %mul3A_15 : f32 to vector<3000x128xf32>
    %mul3A_17 = arith.mulf %mul3A_12, %mul3A_16 : vector<3000x128xf32>
    %select_n3A = arith.select %ge3A_14, %mul3A_12, %mul3A_17 : vector<3000x128xi1>, vector<3000x128xf32>
    %mul3A_18 = arith.mulf %select_n3A, %select_n3A : vector<3000x128xf32>
    %reduce_sum3A = arith.constant dense<0.000000e+00> : vector<3000xf32>
    %reduce_sum3A_19 = vector.multi_reduction <add>, %mul3A_18, %reduce_sum3A [1] : vector<3000x128xf32> to vector<3000xf32>
    %broadcast_in_dim3A = vector.shape_cast %reduce_sum3A_19 : vector<3000xf32> to vector<3000x1xf32>
    %sqrt3A = math.sqrt %broadcast_in_dim3A : vector<3000x1xf32>
    %max3A = arith.constant 9.99999996E-13 : f32
    %max3A_20 = vector.broadcast %max3A : f32 to vector<3000x1xf32>
    %max3A_21 = arith.maximumf %sqrt3A, %max3A_20 : vector<3000x1xf32>
    %div3A = vector.broadcast %max3A_21 : vector<3000x1xf32> to vector<3000x128xf32>
    %div3A_22 = arith.divf %select_n3A, %div3A : vector<3000x128xf32>
    %swap3A = arith.constant 0 : index
    %swap3A_23 = arith.constant 0 : index
    %swap3A_24 = vector.load %arg3[%swap3A, %swap3A_23] : memref<3000x128xf32, #tpu.memory_space<vmem>>, vector<3000x128xf32>
    tpu.vector_store %arg3[%swap3A, %swap3A_23], %div3A_22 {strides = array<i32>} : memref<3000x128xf32, #tpu.memory_space<vmem>>, vector<3000x128xf32>,
    return
  }
  func.func @transform_0(%arg0: i32) -> (i32, i32, i32) {
    %c0_i32 = arith.constant 0 : i32
    %c0_i32_0 = arith.constant 0 : i32
    %c0_i32_1 = arith.constant 0 : i32
    return %c0_i32, %arg0, %c0_i32_0 : i32, i32, i32
  }
  func.func @transform_1(%arg0: i32) -> (i32, i32) {
    %c0_i32 = arith.constant 0 : i32
    %c0_i32_0 = arith.constant 0 : i32
    return %arg0, %c0_i32 : i32, i32
  }
  func.func @transform_2(%arg0: i32) -> (i32, i32) {
    %c0_i32 = arith.constant 0 : i32
    %c0_i32_0 = arith.constant 0 : i32
    return %arg0, %c0_i32 : i32, i32
  }
}

</mosaic_0001>

<sc_bundles>
// kernel: kernel.5.cloned.1.call-start
scs
__scs_entry_jumppad:
0x0: {  	(pc) =	sbr.rel $0x88, $3  }
0x1: {  	(tag) =	ssettag $0x0;
	lr =	simm.s32 $0x1  }
0x2: {  	[smem:$0x3F9B] =	sst lr;
	_ =	strace $0xD0000000  }
0x3: {  	_ = 	snop  }
0x4: {  	_ = 	snop  }
0x5: {  	_ = 	snop  }
0x6: {  	_ = 	snop  }
0x7: {  	_ = 	snop  }
__scs_overlays_trampoline_lowered:
0x8: {  	[smem:$0x3FAA] =	sst s0  }
0x9: {  	[smem:$0x3FAB] =	sst s1  }
0xa: {  	[smem:$0x3FAC] =	sst s2  }
0xb: {  	[smem:$0x3FAD] =	sst s3  }
0xc: {  	[smem:$0x3FAE] =	sst s4  }
0xd: {  	[smem:$0x3FAF] =	sst s5  }
0xe: {  	[smem:$0x3FB0] =	sst s6  }
0xf: {  	[smem:$0x3FB1] =	sst s7  }
0x10: {  	[smem:$0x3FB2] =	sst s8  }
0x11: {  	[smem:$0x3FB3] =	sst s9;
	s0 =	simm.s32 @!p0 $0x0  }
0x12: {  	s1 =	sld [smem:$0x3F99];
	s0 =	simm.s32 @p0 $0x1  }
0x13: {  	[smem:$0x3FB4] =	sst s0;
	s0 =	simm.s32 @!p1 $0x0  }
0x14: {  	s2 =	sld [smem:$0x3F98];
	s0 =	simm.s32 @p1 $0x1  }
0x15: {  	[smem:$0x3FB5] =	sst s0;
	s0 =	simm.s32 @!p2 $0x0  }
0x16: {  	s3 =	sld [smem:$0x3FDB];
	s0 =	simm.s32 @p2 $0x1  }
0x17: {  	s4 =	simm.s32 $0x1BF5;
	[smem:$0x3FB7] =	sst s0  }
0x18: {  	s0 =	sld [smem:$0x3F9A];
	_ =	swait.ge [sflag:s4], $0x0  }
0x19: {  	s7 =	sld [smem:$0x3F9B]  }
0x1a: {  	s8 =	sadd.s32 $0xFFFFE003, lr  }
0x1b: {  	s9 =	sadd.s32 $0xFFFFFEF7, lr;
	s5 =	simm.s32 $0xFFFFFFFF;
	p2 =	slt.u32 s8, $0xFFFFF086  }
0x1c: {  	p1 =	slt.u32 s9, $0xF7A;
	s5 =	simm.s32 @!p2 $0x0  }
0x1d: {  	s5 =	simm.s32 @p1 $0x1;
	p0 =	seq.s32 s7, s2  }
0x1e: {  	s7 =	smul.u32 @!p0 $0xF7A, s2;
	p2 =	seq.s32 @!p0 s5, $0x0  }
0x1f: {  	s9 =	smul.u32 $0xF7A, s1;
	s8 =	simm.s32 @!p0 $0x1BF5;
	p2 =	por !p2, p0  }
0x20: {  	[sflag:s8] =	ssyncset.s32 @!p0 $0xFFFFF086;
	s6 =	sadd.s32 @!p0 s3, s7;
	s7 =	simm.s32 @!p0 $0x108  }
0x21: {  	s3 =	sadd.s32 s3, s9;
	s6 =	sadd.s32 @!p0 $0x88, s6;
	s7 =	simm.s32 @p2 $0x1082  }
0x22: {  	[simem:s7], [sflag:s8] =	dma.local @!p0 [hbm:s6], $0xF7A  }
0x23: {  	s9 =	sor.u32 $0xD0000000, s2;
	s6 =	simm.s32 $0x108;
	_ =	swait.ge @!p0 [sflag:s8], $0x0  }
0x24: {  	s3 =	sadd.s32 $0x88, s3;
	s6 =	simm.s32 @!p1 $0x1082;
	[sflag:s4] =	ssyncset.s32 $0xFFFFF086  }
0x25: {  	[simem:s6], [sflag:s4] =	dma.local [hbm:s3], $0xF7A  }
0x26: {  	[smem:$0x3F9B] =	sst s1;
	(tag) =	ssettag s2;
	_ =	strace s9  }
0x27: {  	s1 =	sld [smem:$0x3FAB]  }
0x28: {  	s2 =	sld [smem:$0x3FAC]  }
0x29: {  	s4 =	sld [smem:$0x3FAE]  }
0x2a: {  	p0 =	seq.s32 s5, $0x0;
	s5 =	sld [smem:$0x3FAF]  }
0x2b: {  	s6 =	sld [smem:$0x3FB0]  }
0x2c: {  	s7 =	sld [smem:$0x3FB1]  }
0x2d: {  	s3 =	simm.s32 $0x108;
	s8 =	sld [smem:$0x3FB2]  }
0x2e: {  	s3 =	simm.s32 @!p0 $0x1082;
	s9 =	sld [smem:$0x3FB3]  }
0x2f: {  	lr =	sadd.s32 s0, s3;
	s0 =	sld [smem:$0x3FAA]  }
0x30: {  	s3 =	sld [smem:$0x3FAD]  }
0x31: {  	[smem:$0x3FB6] =	sst s10  }
0x32: {  	s10 =	sld [smem:$0x3FB4];
	_ =	sdelay $0x3  }
0x33: {  	p0 =	seq.s32 s10, $0x1;
	s10 =	sld [smem:$0x3FB6];
	_ =	sdelay $0x3  }
0x34: {  	[smem:$0x3FB6] =	sst s10  }
0x35: {  	s10 =	sld [smem:$0x3FB5];
	_ =	sdelay $0x3  }
0x36: {  	p1 =	seq.s32 s10, $0x1;
	s10 =	sld [smem:$0x3FB6];
	_ =	sdelay $0x3  }
0x37: {  	[smem:$0x3FB6] =	sst s10  }
0x38: {  	s10 =	sld [smem:$0x3FB7]  }
0x39: {  	_ = 	snop;
	(pc) =	sbr.ind lr, $3  }
0x3a: {  	_ = 	snop  }
0x3b: {  	_ = 	snop  }
0x3c: {  	p2 =	seq.s32 s10, $0x1;
	s10 =	sld [smem:$0x3FB6]  }
0x3d: {  	_ =	shalt  }
0x3e: {  	_ =	shalt  }
0x3f: {  	_ =	shalt  }
0x40: {  	_ =	shalt  }
0x41: {  	_ =	shalt  }
0x42: {  	_ =	shalt  }
0x43: {  	_ =	shalt  }
0x44: {  	_ =	shalt  }
0x45: {  	_ =	shalt  }
0x46: {  	_ =	shalt  }
0x47: {  	_ =	shalt  }
0x48: {  	_ =	shalt  }
0x49: {  	_ =	shalt  }
0x4a: {  	_ =	shalt  }
0x4b: {  	_ =	shalt  }
0x4c: {  	_ =	shalt  }
0x4d: {  	_ =	shalt  }
0x4e: {  	_ =	shalt  }
0x4f: {  	_ =	shalt  }
0x50: {  	_ =	shalt  }
0x51: {  	_ =	shalt  }
0x52: {  	_ =	shalt  }
0x53: {  	_ =	shalt  }
0x54: {  	_ =	shalt  }
0x55: {  	_ =	shalt  }
0x56: {  	_ =	shalt  }
0x57: {  	_ =	shalt  }
0x58: {  	_ =	shalt  }
0x59: {  	_ =	shalt  }
0x5a: {  	_ =	shalt  }
0x5b: {  	_ =	shalt  }
0x5c: {  	_ =	shalt  }
0x5d: {  	_ =	shalt  }
0x5e: {  	_ =	shalt  }
0x5f: {  	_ =	shalt  }
0x60: {  	_ =	shalt  }
0x61: {  	_ =	shalt  }
0x62: {  	_ =	shalt  }
0x63: {  	_ =	shalt  }
0x64: {  	_ =	shalt  }
0x65: {  	_ =	shalt  }
0x66: {  	_ =	shalt  }
0x67: {  	_ =	shalt  }
0x68: {  	_ =	shalt  }
0x69: {  	_ =	shalt  }
0x6a: {  	_ =	shalt  }
0x6b: {  	_ =	shalt  }
0x6c: {  	_ =	shalt  }
0x6d: {  	_ =	shalt  }
0x6e: {  	_ =	shalt  }
0x6f: {  	_ =	shalt  }
0x70: {  	_ =	shalt  }
0x71: {  	_ =	shalt  }
0x72: {  	_ =	shalt  }
0x73: {  	_ =	shalt  }
0x74: {  	_ =	shalt  }
0x75: {  	_ =	shalt  }
0x76: {  	_ =	shalt  }
0x77: {  	_ =	shalt  }
0x78: {  	_ =	shalt  }
0x79: {  	_ =	shalt  }
0x7a: {  	_ =	shalt  }
0x7b: {  	_ =	shalt  }
0x7c: {  	_ =	shalt  }
0x7d: {  	_ =	shalt  }
0x7e: {  	_ =	shalt  }
0x7f: {  	_ =	shalt  }
0x80: {  	_ =	shalt  }
0x81: {  	_ =	shalt  }
0x82: {  	_ =	shalt  }
0x83: {  	_ =	shalt  }
0x84: {  	_ =	shalt  }
0x85: {  	_ =	shalt  }
0x86: {  	_ =	shalt  }
0x87: {  	_ =	shalt  }
.Lfunc_end0:
.L_simem_size_0:
called_computation_lowered:
.L_overlay_start_0:
0x88: {  	s2 =	sld [smem:$0x3FD9]  }
0x89: {  	s3 =	sld [smem:$0x3FFE];
	_ =	sdelay $0x1  }
0x8a: {  	s1 =	srdreg.scid  }
0x8b: {  	s0 =	sand.u32 $0x1, s1  }
0x8c: {  	s14 =	sshll.u32 s0, $0xA;
	s2 =	sadd.s32 s3, s2  }
0x8d: {  	s2 =	sadd.s32 s2, s14  }
0x8e: {  	[smem:$0x3FC2] =	sst s2  }
0x8f: {  	_ = 	snop  }
0x90: {  	s2 =	sld [smem:$0x3FD0];
	_ =	sdelay $0x2  }
0x91: {  	s15 =	simm.s32 $0xA;
	s4 =	simm.s32 $0x10  }
0x92: {  	[smem:s4], [sflag:s15] =	dma.local [hbm:s2], $0x1  }
0x93: {  	_ =	swait.eq [sflag:s15], $0x1  }
0x94: {  	[sflag:s15] =	ssyncset.done $0x0  }
0x95: {  	s16 =	sld [smem:$0x10];
	[sflag:s15] =	ssyncadd.s32 $0xFFFFFFFF  }
0x96: {  	s17 =	sld [smem:$0x11];
	(tm) =	ssettm $0x1  }
0x97: {  	s18 =	sld [smem:$0x3FFB];
	_ =	sdelay $0x3  }
0x98: {  	_ =	strace s18  }
0x99: {  	s4 =	sld [smem:$0x3FFC];
	_ =	sdelay $0x3  }
0x9a: {  	_ =	strace s4  }
0x9b: {  	s4 =	sld [smem:$0x3FFD];
	_ =	sdelay $0x3  }
0x9c: {  	_ =	strace s4  }
0x9d: {  	_ =	strace $0x8FFFFFFF  }
0x9e: {  	s19 =	sld [smem:$0x3FDB];
	_ =	sdelay $0x1  }
0x9f: {  	s5 =	simm.s32 $_scs_section_size  }
0xa0: {  	s6 =	simm.s32 $_size__tile_overlayer_lowered;
	s7 =	simm.s32 $_tile_overlayer_lowered  }
0xa1: {  	s22 =	simm.s32 $0x1BFF;
	s21 =	sshll.u32 s7, $0x1;
	s4 =	sadd.s32 s5, s19  }
0xa2: {  	s8 =	simm.s32 $0x0;
	s20 =	sshll.u32 s6, $0x1;
	s6 =	sadd.s32 s21, s4  }
0xa3: {  	[timem:s8], [sflag:s22] =	dma.local [hbm:s6], s20  }
0xa4: {  	_ =	swait.ge [sflag:s22], s20  }
0xa5: {  	s5 =	ssub.s32 $0x0, s20;
	[sflag:s22] =	ssyncset.done $0x0  }
0xa6: {  	[sflag:s22] =	ssyncadd.s32 s5;
	_ =	sdelay $0x1  }
0xa7: {  	s23 =	simm.s32 $0x1B8B  }
0xa8: {  	_ =	swait.ge [sflag:s23], $0x1  }
0xa9: {  	[sflag:s23] =	ssyncset.done $0x0  }
0xaa: {  	s25 =	simm.s32 $0x1B8E;
	s24 =	sld [smem:$0x3FFE];
	[sflag:s23] =	ssyncadd.s32 $0xFFFFFFFF  }
0xab: {  	s26 =	simm.s32 $execute0_lowered;
	[smem:$0x3FD2] =	sst s25  }
0xac: {  	s6 =	sshll.u32 s26, $0x1;
	_ =	strace $0x80000046;
	[dreg:$0x1] =	wrdreg $0xFFFFFFFF  }
0xad: {  	s28 =	simm.s32 $_size_execute0_lowered;
	s4 =	sadd.s32 s4, s6;
	[dreg:$0x0] =	wrdreg $0x0  }
0xae: {  	s6 =	sshll.u32 s28, $0x1;
	[dreg:$0x2] =	wrdreg s4  }
0xaf: {  	[dreg:$0x3] =	wrdreg s6  }
0xb0: {  	[dreg:$0x4] =	wrdreg $0xC0  }
0xb1: {  	_ =	task [dreg:s8], $0x5FFFF  }
0xb2: {  	[dreg:$0x1] =	wrdreg $0xFFFFFFFF  }
0xb3: {  	[dreg:$0x0] =	wrdreg $0x60  }
0xb4: {  	[dreg:$0x2] =	wrdreg s24  }
0xb5: {  	[dreg:$0x3] =	wrdreg s17  }
0xb6: {  	[dreg:$0x4] =	wrdreg s16  }
0xb7: {  	[dreg:$0x5] =	wrdreg $0xC4000  }
0xb8: {  	[dreg:$0x6] =	wrdreg $0x9  }
0xb9: {  	_ =	task.clear_ibuf [dreg:s8], $0x7FFFF;
	_ =	strace $0x90000046  }
0xba: {  	s29 =	simm.s32 $0x9;
	_ =	strace $0x80000048  }
0xbb: {  	_ =	swait.ge [sflag:s29], $0x1  }
0xbc: {  	[sflag:s29] =	ssyncadd.s32 $0xFFFFFFFF  }
0xbd: {  	_ =	strace $0x90000048  }
0xbe: {  	_ =	sfence  }
0xbf: {  	s30 =	sld [smem:$0x0];
	_ =	sdelay $0x2  }
0xc0: {  	s31 =	sshll.u32 s1, $0xD;
	s1 =	sshrl.u32 s1, $0x2  }
0xc1: {  	s3 =	sand.u32 $0x4000, s31;
	s1 =	sadd.s32 s1, s30  }
0xc2: {  	s0 =	sor.u32 s3, s0;
	s1 =	sshll.u32 s1, $0x11  }
0xc3: {  	s0 =	sor.u32 s1, s0  }
0xc4: {  	s0 =	sadd.s32 $0x8F2B, s0  }
0xc5: {  	[sflag:s0] =	ssyncadd.remote.s32 $0x1  }
0xc6: {  	_ =	sfence.sel $0xFFFF  }
0xc7: {  	[dreg:$0x0] =	wrdreg $0xFFFFFFFF;
	(pc) =	sbr.abs _section_cstart, $3  }
0xc8: {  	[dreg:$0x1] =	wrdreg $0xFFFFFFFF  }
0xc9: {  	_ =	task.clear_ibuf [dreg:s8], $0x2FFFF;
	_ =	strace $0x9FFFFFFF  }
0xca: {  	(tm) =	ssettm $0x7FFFFFFF  }
0xcb: {  	_ =	shalt  }
tec
execute0_lowered:
.L_overlay_start_1:
0x0: {  	(tag) =	ssettag $0x1  }
0x1: {  	s0 =	rddreg [dreg:$0x0]  }
0x2: {  	s1 =	rddreg [dreg:$0x1]  }
0x3: {  	s5 =	rddreg [dreg:$0x2]  }
0x4: {  	s2 =	rddreg [dreg:$0x3]  }
0x5: {  	s4 =	srdreg.scid;
	s13 =	stileid.u32  }
0x6: {  	s3 =	simm.s32 $0x0;
	s28 =	simm.s32 $0x1;
	s29 =	simm.s32 $0x2  }
0x7: {  	s30 =	simm.s32 $0x4;
	s31 =	simm.s32 $0x7;
	s7 =	sand.u32 $0x1, s4  }
0x8: {  	s6 =	smul.u32 $0x2780, s13;
	[smem:$0x7FF] =	sst s3;
	s4 =	sadd.s32 $0xE00, s0  }
0x9: {  	s9 =	sadd.s32 $0x271E00, s0;
	s11 =	sshll.u32 s13, $0x1;
	s10 =	smul.u32 $0x4F000, s13  }
0xa: {  	s16 =	sshll.u32 s13, $0x6;
	s8 =	smul.u32 $0x27800, s7;
	_ =	strace $0x80000047  }
0xb: {  	[dreg:$0x5] =	wrdreg s9;
	s12 =	ssub.s32 $0x2, s7;
	s15 =	sshrl.u32 s10, $0x2  }
0xc: {  	s14 =	sshrl.u32 s12, $0x1;
	s17 =	sadd.s32 s15, s2;
	s15 =	smul.u32 $0xA00, s13  }
0xd: {  	s6 =	sadd.s32 s6, s8;
	s8 =	sor.u32 s7, s11;
	s7 =	smul.u32 $0x500, s7  }
0xe: {  	s14 =	ssub.s32 s12, s14;
	s0 =	sadd.s32 s6, s0;
	s11 =	smul.u32 $0x500, s8  }
0xf: {  	s6 =	sor.u32 $0x1C0A, s16;
	s26 =	smax.u32 s14, $0x1;
	s17 =	sshrl.u32 s17, $0x3  }
0x10: {  	s0 =	sadd.s32 $0x274600, s0;
	s25 =	sadd.s32 s15, s5;
	[dreg:$0xd] =	wrdreg s26  }
0x11: {  	s26 =	simm.s32 $0x0;
	s19 =	sadd.s32 s1, s11;
	[dreg:$0xc] =	wrdreg s0  }
0x12: {  	s18 =	sor.u32 $0x10, s11;
	s20 =	sadd.s32 s5, s11;
	[dreg:$0x6] =	wrdreg s19  }
0x13: {  	s12 =	sor.u32 $0x20, s11;
	s0 =	simm.s32 $0x5;
	[dreg:$0x7] =	wrdreg s20  }
0x14: {  	s21 =	sadd.s32 s1, s18;
	s22 =	sadd.s32 s5, s18;
	s23 =	sadd.s32 s1, s12  }
0x15: {  	s24 =	sadd.s32 s5, s12;
	s1 =	sadd.s32 s15, s1;
	[dreg:$0x8] =	wrdreg s21  }
.Ltmp0:
0x16: {  	s15 =	sadd.s32 s7, s25;
	[dreg:$0x9] =	wrdreg s22;
	(pc) =	sbr.rel .LBB2_1-.Ltmp0, $4  }
0x17: {  	s18 =	simm.s32 $0xA;
	s19 =	simm.s32 $0x200;
	[dreg:$0xa] =	wrdreg s23  }
0x18: {  	s20 =	simm.s32 $0x80;
	s25 =	simm.s32 $0x3;
	[dreg:$0xb] =	wrdreg s24  }
0x19: {  	s16 =	sadd.s32 s7, s1;
	s21 =	simm.s32 $0x400;
	s22 =	simm.s32 $0x280  }
0x1a: {  	s23 =	simm.s32 $0x4400;
	s24 =	simm.s32 $0x100;
	s1 =	simm.s32 $0x8  }
.LBB2_3:
0x1b: {  	[spmem:s2] =	stream.indirect.scatter.add.f32 [tilespmem:s21], [sflag:$0xA], $0x80, s19, s20, $0xb8;
	v63 =	vld [tilespmem:$0x0]  }
0x1c: {  	_ =	swait.ge [sflag:s18], $0x4000  }
0x1d: {  	[sflag:s18] =	ssyncset.done $0x0  }
0x1e: {  	[sflag:s18] =	ssyncadd.s32 $0xFFFFC000  }
0x1f: {  	_ =	swait.ge [sflag:s29], $0x4000  }
0x20: {  	[sflag:s29] =	ssyncset.done $0x0  }
0x21: {  	[sflag:s29] =	ssyncadd.s32 $0xFFFFC000  }
0x22: {  	[spmem:s2] =	stream.indirect.scatter.add.f32 [tilespmem:s23], [sflag:$0xA], $0x80, s22, s20, $0xb8;
	v63 =	vld [tilespmem:$0x0]  }
0x23: {  	_ =	swait.ge [sflag:s18], $0x4000  }
0x24: {  	[sflag:s18] =	ssyncset.done $0x0  }
0x25: {  	[sflag:s18] =	ssyncadd.s32 $0xFFFFC000  }
.LBB2_5:
0x26: {  	[bflag:$0x0] =	sbarrier.arrive $0xFFFF  }
0x27: {  	s5 =	rddreg [dreg:$0xc]  }
0x28: {  	[hbm:s5], [sflag:s6] =	dma.local [spmem:s17], $0x2780  }
0x29: {  	_ =	swait.ge [sflag:s18], $0x2780  }
0x2a: {  	s26 =	sadd.s32 $0x1, s26;
	s14 =	rddreg [dreg:$0xd]  }
0x2b: {  	p0 =	sne.s32 s26, s14  }
.Ltmp1:
0x2c: {  	_ = 	snop;
	(pc) =	sbr.rel @!p0 .LBB2_6-.Ltmp1, $3  }
0x2d: {  	_ =	sdelay $0x1  }
0x2e: {  	[sflag:s18] =	ssyncset.done $0x0  }
0x2f: {  	[sflag:s18] =	ssyncadd.s32 $0xFFFFD880  }
.LBB2_1:
0x30: {  	s5 =	rddreg [dreg:$0x5]  }
0x31: {  	[spmem:s17], [sflag:s6] =	dma.local [hbm:s5], $0x2780  }
0x32: {  	_ =	swait.ge [sflag:s18], $0x2780  }
0x33: {  	[sflag:s18] =	ssyncset.done $0x0  }
0x34: {  	[sflag:s18] =	ssyncadd.s32 $0xFFFFD880  }
0x35: {  	[bflag:$0x0] =	sbarrier.arrive $0xFFFF  }
0x36: {  	s8 =	rddreg [dreg:$0x6]  }
0x37: {  	[tilespmem:s3], [sflag:$0xA] =	stream.linear.gather [hbm4b:s8+s3], $0x80, $0x38;
	v63 =	vld [tilespmem:$0x0]  }
0x38: {  	_ =	swait.ge [sflag:s18], $0x80  }
0x39: {  	[sflag:s18] =	ssyncset.done $0x0  }
0x3a: {  	s9 =	rddreg [dreg:$0x7];
	[sflag:s18] =	ssyncadd.s32 $0xFFFFFF80  }
0x3b: {  	[tilespmem:s19], [sflag:$0xA] =	stream.linear.gather [hbm4b:s9+s3], $0x80, $0x38;
	v63 =	vld [tilespmem:$0x0]  }
0x3c: {  	_ =	swait.ge [sflag:s18], $0x80  }
0x3d: {  	[sflag:s18] =	ssyncset.done $0x0  }
0x3e: {  	[sflag:s18] =	ssyncadd.s32 $0xFFFFFF80  }
0x3f: {  	[tilespmem:s21], [sflag:$0x1] =	stream.indirect.gather [hbm4b:s4+s20], $0x80, s3, s20, $0xb8;
	v63 =	vld [tilespmem:$0x0]  }
0x40: {  	s10 =	rddreg [dreg:$0x8]  }
0x41: {  	[tilespmem:s20], [sflag:$0xA] =	stream.linear.gather [hbm4b:s10+s3], $0x80, $0x38;
	v63 =	vld [tilespmem:$0x0]  }
0x42: {  	_ =	swait.ge [sflag:s18], $0x80  }
0x43: {  	[sflag:s18] =	ssyncset.done $0x0  }
0x44: {  	s11 =	rddreg [dreg:$0x9];
	[sflag:s18] =	ssyncadd.s32 $0xFFFFFF80  }
0x45: {  	[tilespmem:s22], [sflag:$0xA] =	stream.linear.gather [hbm4b:s11+s3], $0x80, $0x38;
	v63 =	vld [tilespmem:$0x0]  }
0x46: {  	_ =	swait.ge [sflag:s18], $0x80  }
0x47: {  	[sflag:s18] =	ssyncset.done $0x0  }
0x48: {  	[sflag:s18] =	ssyncadd.s32 $0xFFFFFF80  }
0x49: {  	[tilespmem:s23], [sflag:$0x2] =	stream.indirect.gather [hbm4b:s4+s20], $0x80, s20, s20, $0xb8;
	v63 =	vld [tilespmem:$0x0]  }
0x4a: {  	s12 =	rddreg [dreg:$0xa]  }
0x4b: {  	[tilespmem:s24], [sflag:$0xA] =	stream.linear.gather [hbm4b:s12+s3], $0x80, $0x38;
	v63 =	vld [tilespmem:$0x0]  }
0x4c: {  	_ =	swait.ge [sflag:s18], $0x80  }
0x4d: {  	[sflag:s18] =	ssyncset.done $0x0  }
0x4e: {  	s7 =	simm.s32 $0x300;
	s13 =	rddreg [dreg:$0xb];
	[sflag:s18] =	ssyncadd.s32 $0xFFFFFF80  }
0x4f: {  	[tilespmem:s7], [sflag:$0xA] =	stream.linear.gather [hbm4b:s13+s3], $0x80, $0x38;
	v63 =	vld [tilespmem:$0x0]  }
0x50: {  	_ =	swait.ge [sflag:s18], $0x80  }
0x51: {  	s14 =	simm.s32 $0x8400;
	[sflag:s18] =	ssyncset.done $0x0  }
0x52: {  	s5 =	simm.s32 $0x0;
	s7 =	simm.s32 $0x0;
	[sflag:s18] =	ssyncadd.s32 $0xFFFFFF80  }
0x53: {  	[tilespmem:s14], [sflag:$0x3] =	stream.indirect.gather [hbm4b:s4+s20], $0x80, s24, s20, $0xb8;
	v63 =	vld [tilespmem:$0x0]  }
.LBB2_2:
0x54: {  	p0 =	sne.s32 s5, $0x4E0  }
.Ltmp2:
0x55: {  	_ = 	snop;
	(pc) =	sbr.rel @!p0 .LBB2_3-.Ltmp2, $4  }
0x56: {  	_ = 	snop  }
0x57: {  	_ =	swait.ge [sflag:s28], $0x4000  }
0x58: {  	[sflag:s28] =	ssyncset.done $0x0  }
0x59: {  	[sflag:s28] =	ssyncadd.s32 $0xFFFFC000  }
0x5a: {  	s8 =	sadd.s32 s5, s16  }
0x5b: {  	s9 =	sadd.s32 $0x30, s8  }
0x5c: {  	[tilespmem:s3], [sflag:$0x4] =	stream.linear.gather [hbm4b:s9+s3], $0x80, $0x38;
	v63 =	vld [tilespmem:$0x0]  }
0x5d: {  	_ = 	snop  }
0x5e: {  	[spmem:s2] =	stream.indirect.scatter.add.f32 [tilespmem:s21], [sflag:$0xA], $0x80, s19, s20, $0xb8;
	v63 =	vld [tilespmem:$0x0]  }
0x5f: {  	_ =	swait.ge [sflag:s18], $0x4000  }
0x60: {  	s13 =	sadd.s32 s5, s15;
	[sflag:s18] =	ssyncset.done $0x0  }
0x61: {  	s10 =	sadd.s32 $0x30, s13;
	[sflag:s18] =	ssyncadd.s32 $0xFFFFC000  }
0x62: {  	[tilespmem:s19], [sflag:$0x7] =	stream.linear.gather [hbm4b:s10+s3], $0x80, $0x38;
	v63 =	vld [tilespmem:$0x0]  }
0x63: {  	_ =	swait.ge [sflag:s30], $0x80  }
0x64: {  	[sflag:s30] =	ssyncset.done $0x0  }
0x65: {  	[sflag:s30] =	ssyncadd.s32 $0xFFFFFF80  }
0x66: {  	[tilespmem:s21], [sflag:$0x1] =	stream.indirect.gather [hbm4b:s4+s20], $0x80, s3, s20, $0xb8;
	v63 =	vld [tilespmem:$0x0]  }
0x67: {  	_ =	swait.ge [sflag:s31], $0x80  }
0x68: {  	[sflag:s31] =	ssyncset.done $0x0  }
0x69: {  	[sflag:s31] =	ssyncadd.s32 $0xFFFFFF80  }
0x6a: {  	_ =	swait.ge [sflag:s29], $0x4000  }
0x6b: {  	[sflag:s29] =	ssyncset.done $0x0  }
0x6c: {  	s8 =	sadd.s32 $0x40, s8;
	[sflag:s29] =	ssyncadd.s32 $0xFFFFC000  }
0x6d: {  	[tilespmem:s20], [sflag:$0x5] =	stream.linear.gather [hbm4b:s8+s3], $0x80, $0x38;
	v63 =	vld [tilespmem:$0x0]  }
0x6e: {  	_ = 	snop  }
0x6f: {  	[spmem:s2] =	stream.indirect.scatter.add.f32 [tilespmem:s23], [sflag:$0xA], $0x80, s22, s20, $0xb8;
	v63 =	vld [tilespmem:$0x0]  }
0x70: {  	_ =	swait.ge [sflag:s18], $0x4000  }
0x71: {  	[sflag:s18] =	ssyncset.done $0x0  }
0x72: {  	s14 =	sadd.s32 $0x40, s13;
	[sflag:s18] =	ssyncadd.s32 $0xFFFFC000  }
0x73: {  	[tilespmem:s22], [sflag:$0x8] =	stream.linear.gather [hbm4b:s14+s3], $0x80, $0x38;
	v63 =	vld [tilespmem:$0x0]  }
0x74: {  	_ =	swait.ge [sflag:s0], $0x80  }
0x75: {  	[sflag:s0] =	ssyncset.done $0x0  }
0x76: {  	[sflag:s0] =	ssyncadd.s32 $0xFFFFFF80  }
0x77: {  	[tilespmem:s23], [sflag:$0x2] =	stream.indirect.gather [hbm4b:s4+s20], $0x80, s20, s20, $0xb8;
	v63 =	vld [tilespmem:$0x0]  }
0x78: {  	_ =	swait.ge [sflag:s1], $0x80  }
0x79: {  	[sflag:s1] =	ssyncset.done $0x0  }
0x7a: {  	[sflag:s1] =	ssyncadd.s32 $0xFFFFFF80  }
0x7b: {  	p0 =	sgt.u32 s7, $0x18;
	_ =	swait.ge [sflag:s25], $0x4000  }
0x7c: {  	s9 =	simm.s32 @p0 $0x300;
	[sflag:s25] =	ssyncset.done $0x0  }
0x7d: {  	s10 =	simm.s32 @p0 $0x8400;
	s8 =	simm.s32 @p0 $0x80;
	[sflag:s25] =	ssyncadd.s32 $0xFFFFC000  }
0x7e: {  	[spmem:s2] =	stream.indirect.scatter.add.f32 @p0 [tilespmem:s10], [sflag:$0xA], $0x80, s9, s8, $0xb8;
	v63 =	vld [tilespmem:$0x0]  }
0x7f: {  	s8 =	simm.s32 @p0 $0xA  }
0x80: {  	_ =	swait.ge @p0 [sflag:s8], $0x4000  }
0x81: {  	[sflag:s8] =	ssyncset.done @p0 $0x0  }
0x82: {  	s11 =	simm.s32 @!p0 $0x300;
	[sflag:s8] =	ssyncadd.s32 @p0 $0xFFFFC000;
	s8 =	sadd.s32 @!p0 s5, s16  }
0x83: {  	s9 =	simm.s32 @!p0 $0x0;
	s10 =	simm.s32 @!p0 $0x100;
	s8 =	sadd.s32 @!p0 $0x50, s8  }
0x84: {  	[tilespmem:s10], [sflag:$0x6] =	stream.linear.gather @!p0 [hbm4b:s8+s9], $0x80, $0x38;
	v63 =	vld [tilespmem:$0x0]  }
0x85: {  	s12 =	simm.s32 @!p0 $0x8400;
	s13 =	simm.s32 @!p0 $0xA;
	s8 =	simm.s32 @!p0 $0x80  }
0x86: {  	[spmem:s2] =	stream.indirect.scatter.add.f32 @!p0 [tilespmem:s12], [sflag:$0xA], $0x80, s11, s8, $0xb8;
	v63 =	vld [tilespmem:$0x0]  }
0x87: {  	_ =	swait.ge @!p0 [sflag:s13], $0x4000  }
0x88: {  	s14 =	sadd.s32 @!p0 s5, s15;
	[sflag:s13] =	ssyncset.done @!p0 $0x0  }
0x89: {  	[sflag:s13] =	ssyncadd.s32 @!p0 $0xFFFFC000;
	s13 =	sadd.s32 @!p0 $0x50, s14  }
0x8a: {  	[tilespmem:s11], [sflag:$0x9] =	stream.linear.gather @!p0 [hbm4b:s13+s9], $0x80, $0x38;
	v63 =	vld [tilespmem:$0x0]  }
0x8b: {  	s9 =	simm.s32 @!p0 $0x6  }
0x8c: {  	_ =	swait.ge @!p0 [sflag:s9], $0x80  }
0x8d: {  	s5 =	sadd.s32 $0x30, s5;
	[sflag:s9] =	ssyncset.done @!p0 $0x0  }
0x8e: {  	p1 =	sne.s32 s5, $0x510;
	[sflag:s9] =	ssyncadd.s32 @!p0 $0xFFFFFF80  }
0x8f: {  	[tilespmem:s12], [sflag:$0x3] =	stream.indirect.gather @!p0 [hbm4b:s4+s8], $0x80, s10, s8, $0xb8;
	v63 =	vld [tilespmem:$0x0]  }
.Ltmp3:
0x90: {  	_ = 	snop;
	(pc) =	sbr.rel @p1 .LBB2_2-.Ltmp3, $4  }
.Ltmp4:
0x91: {  	s8 =	simm.s32 @!p0 $0x9;
	(pc) =	sbr.rel @!p1 .LBB2_5-.Ltmp4, $4  }
0x92: {  	_ =	swait.ge @!p0 [sflag:s8], $0x80  }
0x93: {  	[sflag:s8] =	ssyncset.done @!p0 $0x0  }
0x94: {  	s7 =	sadd.s32 $0x1, s7;
	[sflag:s8] =	ssyncadd.s32 @!p0 $0xFFFFFF80  }
0x95: {  	_ = 	snop  }
.LBB2_6:
0x96: {  	_ =	sfence.sel $0x180000  }
0x97: {  	[bflag:$0x0] =	sbarrier.arrive $0xFFFF  }
0x98: {  	_ =	strace $0x90000047  }
0x99: {  	s0 =	stileid.u32;
	[bflag:$0x2] =	sbarrier.arrive $0xFFFF  }
0x9a: {  	p0 =	sne.s32 s0, $0x0;
	s0 =	rddreg [dreg:$0x4]  }
0x9b: {  	s0 =	sadd.s32 @!p0 $0x100000, s0  }
0x9c: {  	[sflag:s0] =	ssyncadd.tile.s32 @!p0 $0x1;
	_ =	shalt  }
.Lfunc_end2:
_tile_overlayer_lowered:
.L_overlay_start_2:
0x9d: {  	(tag) =	ssettag $0x2  }
0x9e: {  	s0 =	rddreg [dreg:$0x0];
	s2 =	stileid.u32  }
0x9f: {  	s1 =	rddreg [dreg:$0x1];
	p0 =	sne.s32 s2, $0x0  }
0xa0: {  	s3 =	rddreg [dreg:$0x2];
	[bflag:$0x3] =	sbarrier.arrive $0xFFFF;
	s2 =	simm.s32 @!p0 $0x1C0A  }
0xa1: {  	[timem:s3], [sflag:s2] =	dma.local @!p0 [hbm:s0], s1  }
0xa2: {  	s0 =	simm.s32 @!p0 $0xA  }
0xa3: {  	_ =	swait.ge @!p0 [sflag:s0], s1  }
0xa4: {  	s1 =	ssub.s32 @!p0 $0x0, s1;
	[sflag:s0] =	ssyncset.done @!p0 $0x0  }
0xa5: {  	[sflag:s0] =	ssyncadd.s32 @!p0 s1  }
0xa6: {  	[bflag:$0x3] =	sbarrier.arrive $0xFFFF  }
0xa7: {  	_ =	shalt  }

</sc_bundles>
